<compile_context>
chip_gen: v7x
topology: tpu7x:2x2x1
jax: 0.10.2.dev20260603
libtpu: 0.0.44.dev20260713+nightly
codegen_flags: <defaults>
</compile_context>

<pallas_src>
import functools

import jax
import jax.numpy as jnp
from jax import lax
from jax.experimental import pallas as pl
from jax.experimental.pallas import tpu as pltpu
from jax.experimental.pallas import tpu_sc as plsc

LN_EPS = 1e-12

_NC = 2
_NS = 16
_NW = _NC * _NS

_GATHER_CHUNK = 640


def _sc_gather_body(table_hbm, idx_hbm, oidx_hbm, out_hbm,
                    idx_v0, idx_v1, oidx_v0, oidx_v1, rows_v0, rows_v1,
                    gsem0, gsem1, osem0, osem1):
    n_rows = idx_hbm.shape[0]
    per_w = n_rows // _NW
    wid = lax.axis_index("s") * _NC + lax.axis_index("c")
    base = wid * per_w
    c = _GATHER_CHUNK

    @pl.loop(0, per_w // c, step=2)
    def _(i):
        off0 = base + i * c
        off1 = off0 + c
        pltpu.sync_copy(idx_hbm.at[pl.ds(off0, c)], idx_v0)
        g0 = pltpu.async_copy(table_hbm.at[idx_v0], rows_v0, gsem0)
        pltpu.sync_copy(oidx_hbm.at[pl.ds(off0, c)], oidx_v0)
        pltpu.sync_copy(idx_hbm.at[pl.ds(off1, c)], idx_v1)
        g1 = pltpu.async_copy(table_hbm.at[idx_v1], rows_v1, gsem1)
        pltpu.sync_copy(oidx_hbm.at[pl.ds(off1, c)], oidx_v1)
        g0.wait()
        o0 = pltpu.async_copy(rows_v0, out_hbm.at[oidx_v0], osem0)
        g1.wait()
        o1 = pltpu.async_copy(rows_v1, out_hbm.at[oidx_v1], osem1)
        o0.wait()
        o1.wait()


def _sc_gather(table, flat_ids, out_idx):
    n_rows = flat_ids.shape[0]
    d = table.shape[1]
    mesh = plsc.VectorSubcoreMesh(core_axis_name="c", subcore_axis_name="s")
    k = pl.kernel(
        _sc_gather_body,
        out_type=jax.ShapeDtypeStruct((n_rows, d), table.dtype),
        mesh=mesh,
        scratch_types=[
            pltpu.VMEM((_GATHER_CHUNK,), jnp.int32),
            pltpu.VMEM((_GATHER_CHUNK,), jnp.int32),
            pltpu.VMEM((_GATHER_CHUNK,), jnp.int32),
            pltpu.VMEM((_GATHER_CHUNK,), jnp.int32),
            pltpu.VMEM((_GATHER_CHUNK, d), table.dtype),
            pltpu.VMEM((_GATHER_CHUNK, d), table.dtype),
            pltpu.SemaphoreType.DMA,
            pltpu.SemaphoreType.DMA,
            pltpu.SemaphoreType.DMA,
            pltpu.SemaphoreType.DMA,
        ],
        compiler_params=pltpu.CompilerParams(use_tc_tiling_on_sc=False),
    )
    return k(table, flat_ids, out_idx)


_POS_PER_STEP = 4


def _tc_body(xp_ref, g_ref, wt_ref, w_ref, b_ref, o_ref):
    xp = xp_ref[...]
    pid = jnp.concatenate(
        [g_ref[p] for p in range(_POS_PER_STEP)], axis=1)
    w25 = wt_ref[...]

    r2 = xp.shape[0]
    k_iota = lax.broadcasted_iota(jnp.int32, (25, r2), 0)
    oh_t = (pid == k_iota).astype(jnp.float32)
    add = lax.dot_general(
        oh_t, w25,
        dimension_numbers=(((0,), (0,)), ((), ())),
        preferred_element_type=jnp.float32,
    )
    x = xp + add

    ri = lax.broadcasted_iota(jnp.int32, (128, 128), 0)
    ci = lax.broadcasted_iota(jnp.int32, (128, 128), 1)
    proj = jnp.where((ri < 64) == (ci < 64), 1.0 / 64.0, 0.0)
    mu = lax.dot_general(
        x, proj,
        dimension_numbers=(((1,), (0,)), ((), ())),
        preferred_element_type=jnp.float32,
    )
    xc = x - mu
    var = lax.dot_general(
        xc * xc, proj,
        dimension_numbers=(((1,), (0,)), ((), ())),
        preferred_element_type=jnp.float32,
    )
    inv = lax.rsqrt(var + LN_EPS)
    y = xc * inv * w_ref[...] + b_ref[...]

    yt = y.T
    half = r2 // _POS_PER_STEP
    for p in range(_POS_PER_STEP):
        o_ref[p] = jnp.concatenate(
            [yt[0:64, p * half:(p + 1) * half],
             yt[64:128, p * half:(p + 1) * half]], axis=1)


def _tc_body_aliased(xp_ref, g_ref, wt_ref, w_ref, b_ref, _prev_ref, o_ref):
    _tc_body(xp_ref, g_ref, wt_ref, w_ref, b_ref, o_ref)


def _tc_add_ln_part(packed, pair_ids3, w25, ln_w2, ln_b2,
                    s_total, s_off, n_pos, b, out_prev=None):
    r2 = b // 2
    npos = _POS_PER_STEP
    so2 = s_off // npos
    in_specs = [
        pl.BlockSpec((npos * r2, 128), lambda i: (i, 0)),
        pl.BlockSpec((npos, 1, r2), lambda i: (i + so2, 0, 0)),
        pl.BlockSpec((25, 128), lambda i: (0, 0)),
        pl.BlockSpec((1, 128), lambda i: (0, 0)),
        pl.BlockSpec((1, 128), lambda i: (0, 0)),
    ]
    args = [packed, pair_ids3, w25, ln_w2, ln_b2]
    kwargs = {}
    body = _tc_body
    if out_prev is not None:
        in_specs.append(pl.BlockSpec(memory_space=pl.ANY))
        args.append(out_prev)
        kwargs["input_output_aliases"] = {5: 0}
        body = _tc_body_aliased
    return pl.pallas_call(
        body,
        grid=(n_pos // npos,),
        in_specs=in_specs,
        out_specs=pl.BlockSpec((npos, 64, b), lambda i: (i + so2, 0, 0)),
        out_shape=jax.ShapeDtypeStruct((s_total, 64, b), jnp.float32),
        **kwargs,
    )(*args)


def kernel(input_ids, gene_ids, gene_table, word_table, ln_weight, ln_bias):
    b, s = input_ids.shape
    v, d = gene_table.shape
    h = b // 2
    sh = s // 2

    g_full = jnp.concatenate(
        [jnp.full((b, 1), 4, jnp.int32), gene_ids.astype(jnp.int32)], axis=1
    )
    pair_ids3 = (g_full[:h] * 5 + g_full[h:]).T.reshape(s, 1, h)

    wt5 = jnp.concatenate(
        [word_table, jnp.zeros((1, d), word_table.dtype)], axis=0
    )
    a_idx = jnp.arange(25) // 5
    b_idx = jnp.arange(25) % 5
    w25 = jnp.concatenate([wt5[a_idx], wt5[b_idx]], axis=1)

    ln_w2 = jnp.concatenate([ln_weight, ln_weight]).reshape(1, 2 * d)
    ln_b2 = jnp.concatenate([ln_bias, ln_bias]).reshape(1, 2 * d)

    bb = lax.broadcasted_iota(jnp.int32, (b, sh), 0)
    ssl = lax.broadcasted_iota(jnp.int32, (b, sh), 1)
    oidx_half = (ssl * b + lax.rem(bb, h) * 2 + bb // h).reshape(b * sh)

    packed_halves = []
    for k in range(2):
        flat_k = input_ids[:, k * sh:(k + 1) * sh].reshape(b * sh)
        staging_k = _sc_gather(gene_table, flat_k.astype(jnp.int32), oidx_half)
        packed_halves.append(staging_k.reshape(b * sh // 2, 128))

    out3 = _tc_add_ln_part(
        packed_halves[0], pair_ids3, w25, ln_w2, ln_b2, s, 0, sh, b)
    out3 = _tc_add_ln_part(
        packed_halves[1], pair_ids3, w25, ln_w2, ln_b2, s, sh, sh, b,
        out_prev=out3)
    return jnp.transpose(out3, (2, 0, 1))

# --- scband reference (transcript-rebuilt; emitter-appended) ---
"""Pipeline reference for scband-roberta-geembeddings-47854525612188 (READ-ONLY COPY).

The authoritative reference and input builder live on the scoring server;
editing this copy changes nothing except your own understanding.
"""

import jax, jax.numpy as jnp
import numpy as np

B = 4096
S = 200
VOCAB = 1000000
D = 64
LN_EPS = 1e-12
PAD_GENE = 1   # padding_idx of gene_embeddings (config.pad_token_id)
PAD_WORD = 2   # padding_idx of word_embeddings


def setup_inputs(seed: int = 0) -> dict:
    key = jax.random.key(seed)
    k1, k2, k3, k4 = jax.random.split(key, 4)
    input_ids = jax.random.randint(k1, (B, S), 0, VOCAB, dtype=jnp.int64 if jax.config.jax_enable_x64 else jnp.int32)
    gene_ids = jax.random.randint(k2, (B, S - 1), 0, 4, dtype=jnp.int64 if jax.config.jax_enable_x64 else jnp.int32)
    gene_table = (jax.random.normal(k3, (VOCAB, D), dtype=jnp.float32) * 0.02)
    gene_table = gene_table.at[PAD_GENE].set(0.0)  # nn.Embedding zeroes padding_idx row
    word_table = (jax.random.normal(k4, (4, D), dtype=jnp.float32) * 0.02)
    word_table = word_table.at[PAD_WORD].set(0.0)
    ln_weight = jnp.ones((D,), dtype=jnp.float32)
    ln_bias = jnp.zeros((D,), dtype=jnp.float32)
    return {
        "input_ids": input_ids,
        "gene_ids": gene_ids,
        "gene_table": gene_table,
        "word_table": word_table,
        "ln_weight": ln_weight,
        "ln_bias": ln_bias,
    }


def reference(input_ids, gene_ids, gene_table, word_table, ln_weight, ln_bias):
    # inputs_embeds = self.gene_embeddings(input_ids)
    inputs_embeds = jnp.take(gene_table, input_ids, axis=0)
    # gene_exist_embeds = self.word_embeddings(gene_ids)
    gene_exist_embeds = jnp.take(word_table, gene_ids, axis=0)
    # inputs_embeds[:, 1:, :] += gene_exist_embeds
    inputs_embeds = inputs_embeds.at[:, 1:, :].add(gene_exist_embeds)
    # LayerNorm over last dim
    mean = jnp.mean(inputs_embeds, axis=-1, keepdims=True)
    var = jnp.mean(jnp.square(inputs_embeds - mean), axis=-1, keepdims=True)
    normed = (inputs_embeds - mean) / jnp.sqrt(var + LN_EPS)
    embeddings = normed * ln_weight + ln_bias
    # dropout is identity in eval mode (p applied only in training)
    return embeddings

if __name__ == "__main__":
    import jax
    _d = setup_inputs()
    print(jax.jit(kernel)(*tuple(_d.values())))

</pallas_src>

<mosaic_0001>
#map = affine_map<(d0, d1) -> (0, 0)>
#map1 = affine_map<(d0, d1) -> (0)>
module attributes {stable_mosaic.version = 14 : i64} {
  func.func @_sc_gather_body(%arg0: i32, %arg1: i32, %arg2: memref<1000000x64xf32, #tpu.memory_space<hbm>>, %arg3: memref<409600xi32, #tpu.memory_space<hbm>>, %arg4: memref<409600xi32, #tpu.memory_space<hbm>>, %arg5: memref<409600x64xf32, #tpu.memory_space<hbm>>, %arg6: memref<640xi32, #tpu.memory_space<vmem>>, %arg7: memref<640xi32, #tpu.memory_space<vmem>>, %arg8: memref<640xi32, #tpu.memory_space<vmem>>, %arg9: memref<640xi32, #tpu.memory_space<vmem>>, %arg10: memref<640x64xf32, #tpu.memory_space<vmem>>, %arg11: memref<640x64xf32, #tpu.memory_space<vmem>>, %arg12: memref<!tpu.dma_semaphore, #tpu.memory_space<semaphore_mem>>, %arg13: memref<!tpu.dma_semaphore, #tpu.memory_space<semaphore_mem>>, %arg14: memref<!tpu.dma_semaphore, #tpu.memory_space<semaphore_mem>>, %arg15: memref<!tpu.dma_semaphore, #tpu.memory_space<semaphore_mem>>) attributes {dimension_semantics = [#tpu.dimension_semantics<core_parallel>, #tpu.dimension_semantics<subcore_parallel>], iteration_bounds = array<i64: 2, 16>, scalar_prefetch = 0 : i64, scratch_operands = 10 : i64, tpu.core_type = #tpu.core_type<sc_vector_subcore>, window_params = [{transform_indices = #map}, {transform_indices = #map1}, {transform_indices = #map1}, {transform_indices = #map}]} {
    %mul3A = arith.constant 2 : i32
    %mul3A_0 = arith.muli %arg1, %mul3A : i32
    %add3A = arith.addi %mul3A_0, %arg0 : i32
    %mul3A_1 = arith.constant 12800 : i32
    %mul3A_2 = arith.muli %add3A, %mul3A_1 : i32
    %scan3A = arith.constant 0 : i32
    %scan3A_3 = arith.constant 10 : i32
    %scan3A_4 = arith.addi %scan3A, %scan3A_3 : i32
    %scan3A_5 = arith.constant 1 : i32
    scf.for %scan3A_7 = %scan3A to %scan3A_4 step %scan3A_5  : i32 {
      %mul3A_8 = arith.constant 2 : i32
      %mul3A_9 = arith.muli %scan3A_7, %mul3A_8 : i32
      %add3A_10 = arith.constant 0 : i32
      %add3A_11 = arith.addi %add3A_10, %mul3A_9 : i32
      %mul3A_12 = arith.constant 640 : i32
      %mul3A_13 = arith.muli %add3A_11, %mul3A_12 : i32
      %add3A_14 = arith.addi %mul3A_2, %mul3A_13 : i32
      %add3A_15 = arith.constant 640 : i32
      %add3A_16 = arith.addi %add3A_14, %add3A_15 : i32
      "tpu.region"() ({
        %run_scoped3A = tpu.sem_alloc : memref<!tpu.dma_semaphore, #tpu.memory_space<semaphore_mem>>
        %dma_start3A_39 = tpu.memref_slice %arg3[%add3A_14] : memref<409600xi32, #tpu.memory_space<hbm>> -> memref<640xi32, #tpu.memory_space<hbm>>
        %dma_start3A_40 = tpu.memref_slice %arg3[%add3A_14] : memref<409600xi32, #tpu.memory_space<hbm>> -> memref<640xi32, #tpu.memory_space<hbm>>
        tpu.enqueue_dma source(%dma_start3A_40 : memref<640xi32, #tpu.memory_space<hbm>>) target(%arg6 : memref<640xi32, #tpu.memory_space<vmem>>) target_semaphore(%run_scoped3A : memref<!tpu.dma_semaphore, #tpu.memory_space<semaphore_mem>>)
        %dma_wait3A_41 = tpu.memref_slice %arg3[%add3A_14] : memref<409600xi32, #tpu.memory_space<hbm>> -> memref<640xi32, #tpu.memory_space<hbm>>
        %dma_wait3A_42 = tpu.memref_slice %arg3[%add3A_14] : memref<409600xi32, #tpu.memory_space<hbm>> -> memref<640xi32, #tpu.memory_space<hbm>>
        tpu.wait_dma2 semaphore(%run_scoped3A : memref<!tpu.dma_semaphore, #tpu.memory_space<semaphore_mem>>) src(%dma_wait3A_42 : memref<640xi32, #tpu.memory_space<hbm>>) dst(%arg6 : memref<640xi32, #tpu.memory_space<vmem>>)
        tpu.yield
      }) : () -> ()
      %dma_start3A = arith.constant 0 : i32
      %dma_start3A_17 = arith.constant 0 : i32
      %dma_start3A_18 = tpu.memref_slice %arg2[%dma_start3A, %dma_start3A_17] : memref<1000000x64xf32, #tpu.memory_space<hbm>> -> memref<1000000x64xf32, #tpu.memory_space<hbm>>
      tpu.enqueue_indirect_dma source(%dma_start3A_18 : memref<1000000x64xf32, #tpu.memory_space<hbm>>) target(%arg10 : memref<640x64xf32, #tpu.memory_space<vmem>>) offsets(%arg6 : memref<640xi32, #tpu.memory_space<vmem>>) semaphore(%arg12 : memref<!tpu.dma_semaphore, #tpu.memory_space<semaphore_mem>>)
      "tpu.region"() ({
        %run_scoped3A = tpu.sem_alloc : memref<!tpu.dma_semaphore, #tpu.memory_space<semaphore_mem>>
        %dma_start3A_39 = tpu.memref_slice %arg4[%add3A_14] : memref<409600xi32, #tpu.memory_space<hbm>> -> memref<640xi32, #tpu.memory_space<hbm>>
        %dma_start3A_40 = tpu.memref_slice %arg4[%add3A_14] : memref<409600xi32, #tpu.memory_space<hbm>> -> memref<640xi32, #tpu.memory_space<hbm>>
        tpu.enqueue_dma source(%dma_start3A_40 : memref<640xi32, #tpu.memory_space<hbm>>) target(%arg8 : memref<640xi32, #tpu.memory_space<vmem>>) target_semaphore(%run_scoped3A : memref<!tpu.dma_semaphore, #tpu.memory_space<semaphore_mem>>)
        %dma_wait3A_41 = tpu.memref_slice %arg4[%add3A_14] : memref<409600xi32, #tpu.memory_space<hbm>> -> memref<640xi32, #tpu.memory_space<hbm>>
        %dma_wait3A_42 = tpu.memref_slice %arg4[%add3A_14] : memref<409600xi32, #tpu.memory_space<hbm>> -> memref<640xi32, #tpu.memory_space<hbm>>
        tpu.wait_dma2 semaphore(%run_scoped3A : memref<!tpu.dma_semaphore, #tpu.memory_space<semaphore_mem>>) src(%dma_wait3A_42 : memref<640xi32, #tpu.memory_space<hbm>>) dst(%arg8 : memref<640xi32, #tpu.memory_space<vmem>>)
        tpu.yield
      }) : () -> ()
      "tpu.region"() ({
        %run_scoped3A = tpu.sem_alloc : memref<!tpu.dma_semaphore, #tpu.memory_space<semaphore_mem>>
        %dma_start3A_39 = tpu.memref_slice %arg3[%add3A_16] : memref<409600xi32, #tpu.memory_space<hbm>> -> memref<640xi32, #tpu.memory_space<hbm>>
        %dma_start3A_40 = tpu.memref_slice %arg3[%add3A_16] : memref<409600xi32, #tpu.memory_space<hbm>> -> memref<640xi32, #tpu.memory_space<hbm>>
        tpu.enqueue_dma source(%dma_start3A_40 : memref<640xi32, #tpu.memory_space<hbm>>) target(%arg7 : memref<640xi32, #tpu.memory_space<vmem>>) target_semaphore(%run_scoped3A : memref<!tpu.dma_semaphore, #tpu.memory_space<semaphore_mem>>)
        %dma_wait3A_41 = tpu.memref_slice %arg3[%add3A_16] : memref<409600xi32, #tpu.memory_space<hbm>> -> memref<640xi32, #tpu.memory_space<hbm>>
        %dma_wait3A_42 = tpu.memref_slice %arg3[%add3A_16] : memref<409600xi32, #tpu.memory_space<hbm>> -> memref<640xi32, #tpu.memory_space<hbm>>
        tpu.wait_dma2 semaphore(%run_scoped3A : memref<!tpu.dma_semaphore, #tpu.memory_space<semaphore_mem>>) src(%dma_wait3A_42 : memref<640xi32, #tpu.memory_space<hbm>>) dst(%arg7 : memref<640xi32, #tpu.memory_space<vmem>>)
        tpu.yield
      }) : () -> ()
      %dma_start3A_19 = arith.constant 0 : i32
      %dma_start3A_20 = arith.constant 0 : i32
      %dma_start3A_21 = tpu.memref_slice %arg2[%dma_start3A_19, %dma_start3A_20] : memref<1000000x64xf32, #tpu.memory_space<hbm>> -> memref<1000000x64xf32, #tpu.memory_space<hbm>>
      tpu.enqueue_indirect_dma source(%dma_start3A_21 : memref<1000000x64xf32, #tpu.memory_space<hbm>>) target(%arg11 : memref<640x64xf32, #tpu.memory_space<vmem>>) offsets(%arg7 : memref<640xi32, #tpu.memory_space<vmem>>) semaphore(%arg13 : memref<!tpu.dma_semaphore, #tpu.memory_space<semaphore_mem>>)
      "tpu.region"() ({
        %run_scoped3A = tpu.sem_alloc : memref<!tpu.dma_semaphore, #tpu.memory_space<semaphore_mem>>
        %dma_start3A_39 = tpu.memref_slice %arg4[%add3A_16] : memref<409600xi32, #tpu.memory_space<hbm>> -> memref<640xi32, #tpu.memory_space<hbm>>
        %dma_start3A_40 = tpu.memref_slice %arg4[%add3A_16] : memref<409600xi32, #tpu.memory_space<hbm>> -> memref<640xi32, #tpu.memory_space<hbm>>
        tpu.enqueue_dma source(%dma_start3A_40 : memref<640xi32, #tpu.memory_space<hbm>>) target(%arg9 : memref<640xi32, #tpu.memory_space<vmem>>) target_semaphore(%run_scoped3A : memref<!tpu.dma_semaphore, #tpu.memory_space<semaphore_mem>>)
        %dma_wait3A_41 = tpu.memref_slice %arg4[%add3A_16] : memref<409600xi32, #tpu.memory_space<hbm>> -> memref<640xi32, #tpu.memory_space<hbm>>
        %dma_wait3A_42 = tpu.memref_slice %arg4[%add3A_16] : memref<409600xi32, #tpu.memory_space<hbm>> -> memref<640xi32, #tpu.memory_space<hbm>>
        tpu.wait_dma2 semaphore(%run_scoped3A : memref<!tpu.dma_semaphore, #tpu.memory_space<semaphore_mem>>) src(%dma_wait3A_42 : memref<640xi32, #tpu.memory_space<hbm>>) dst(%arg9 : memref<640xi32, #tpu.memory_space<vmem>>)
        tpu.yield
      }) : () -> ()
      %dma_wait3A = arith.constant 0 : i32
      %dma_wait3A_22 = arith.constant 0 : i32
      %dma_wait3A_23 = tpu.memref_slice %arg2[%dma_wait3A, %dma_wait3A_22] : memref<1000000x64xf32, #tpu.memory_space<hbm>> -> memref<1000000x64xf32, #tpu.memory_space<hbm>>
      tpu.wait_indirect_dma semaphore(%arg12 : memref<!tpu.dma_semaphore, #tpu.memory_space<semaphore_mem>>) src(%dma_wait3A_23 : memref<1000000x64xf32, #tpu.memory_space<hbm>>) dst(%arg10 : memref<640x64xf32, #tpu.memory_space<vmem>>)
      %dma_start3A_24 = arith.constant 0 : i32
      %dma_start3A_25 = arith.constant 0 : i32
      %dma_start3A_26 = tpu.memref_slice %arg5[%dma_start3A_24, %dma_start3A_25] : memref<409600x64xf32, #tpu.memory_space<hbm>> -> memref<409600x64xf32, #tpu.memory_space<hbm>>
      tpu.enqueue_indirect_dma source(%arg10 : memref<640x64xf32, #tpu.memory_space<vmem>>) target(%dma_start3A_26 : memref<409600x64xf32, #tpu.memory_space<hbm>>) offsets(%arg8 : memref<640xi32, #tpu.memory_space<vmem>>) semaphore(%arg14 : memref<!tpu.dma_semaphore, #tpu.memory_space<semaphore_mem>>)
      %dma_wait3A_27 = arith.constant 0 : i32
      %dma_wait3A_28 = arith.constant 0 : i32
      %dma_wait3A_29 = tpu.memref_slice %arg2[%dma_wait3A_27, %dma_wait3A_28] : memref<1000000x64xf32, #tpu.memory_space<hbm>> -> memref<1000000x64xf32, #tpu.memory_space<hbm>>
      tpu.wait_indirect_dma semaphore(%arg13 : memref<!tpu.dma_semaphore, #tpu.memory_space<semaphore_mem>>) src(%dma_wait3A_29 : memref<1000000x64xf32, #tpu.memory_space<hbm>>) dst(%arg11 : memref<640x64xf32, #tpu.memory_space<vmem>>)
      %dma_start3A_30 = arith.constant 0 : i32
      %dma_start3A_31 = arith.constant 0 : i32
      %dma_start3A_32 = tpu.memref_slice %arg5[%dma_start3A_30, %dma_start3A_31] : memref<409600x64xf32, #tpu.memory_space<hbm>> -> memref<409600x64xf32, #tpu.memory_space<hbm>>
      tpu.enqueue_indirect_dma source(%arg11 : memref<640x64xf32, #tpu.memory_space<vmem>>) target(%dma_start3A_32 : memref<409600x64xf32, #tpu.memory_space<hbm>>) offsets(%arg9 : memref<640xi32, #tpu.memory_space<vmem>>) semaphore(%arg15 : memref<!tpu.dma_semaphore, #tpu.memory_space<semaphore_mem>>)
      %dma_wait3A_33 = arith.constant 0 : i32
      %dma_wait3A_34 = arith.constant 0 : i32
      %dma_wait3A_35 = tpu.memref_slice %arg5[%dma_wait3A_33, %dma_wait3A_34] : memref<409600x64xf32, #tpu.memory_space<hbm>> -> memref<409600x64xf32, #tpu.memory_space<hbm>>
      tpu.wait_indirect_dma semaphore(%arg14 : memref<!tpu.dma_semaphore, #tpu.memory_space<semaphore_mem>>) src(%arg10 : memref<640x64xf32, #tpu.memory_space<vmem>>) dst(%dma_wait3A_35 : memref<409600x64xf32, #tpu.memory_space<hbm>>)
      %dma_wait3A_36 = arith.constant 0 : i32
      %dma_wait3A_37 = arith.constant 0 : i32
      %dma_wait3A_38 = tpu.memref_slice %arg5[%dma_wait3A_36, %dma_wait3A_37] : memref<409600x64xf32, #tpu.memory_space<hbm>> -> memref<409600x64xf32, #tpu.memory_space<hbm>>
      tpu.wait_indirect_dma semaphore(%arg15 : memref<!tpu.dma_semaphore, #tpu.memory_space<semaphore_mem>>) src(%arg11 : memref<640x64xf32, #tpu.memory_space<vmem>>) dst(%dma_wait3A_38 : memref<409600x64xf32, #tpu.memory_space<hbm>>)
    }
    %scan3A_6 = arith.constant 10 : i32
    return
  }
}

#map = affine_map<(d0, d1) -> (0, 0)>
#map1 = affine_map<(d0, d1) -> (0)>
module attributes {stable_mosaic.version = 14 : i64} {
  func.func @_sc_gather_body(%arg0: i32, %arg1: i32, %arg2: memref<1000000x64xf32, #tpu.memory_space<hbm>>, %arg3: memref<409600xi32, #tpu.memory_space<hbm>>, %arg4: memref<409600xi32, #tpu.memory_space<hbm>>, %arg5: memref<409600x64xf32, #tpu.memory_space<hbm>>, %arg6: memref<640xi32, #tpu.memory_space<vmem>>, %arg7: memref<640xi32, #tpu.memory_space<vmem>>, %arg8: memref<640xi32, #tpu.memory_space<vmem>>, %arg9: memref<640xi32, #tpu.memory_space<vmem>>, %arg10: memref<640x64xf32, #tpu.memory_space<vmem>>, %arg11: memref<640x64xf32, #tpu.memory_space<vmem>>, %arg12: memref<!tpu.dma_semaphore, #tpu.memory_space<semaphore_mem>>, %arg13: memref<!tpu.dma_semaphore, #tpu.memory_space<semaphore_mem>>, %arg14: memref<!tpu.dma_semaphore, #tpu.memory_space<semaphore_mem>>, %arg15: memref<!tpu.dma_semaphore, #tpu.memory_space<semaphore_mem>>) attributes {dimension_semantics = [#tpu.dimension_semantics<core_parallel>, #tpu.dimension_semantics<subcore_parallel>], iteration_bounds = array<i64: 2, 16>, scalar_prefetch = 0 : i64, scratch_operands = 10 : i64, tpu.core_type = #tpu.core_type<sc_vector_subcore>, window_params = [{transform_indices = #map}, {transform_indices = #map1}, {transform_indices = #map1}, {transform_indices = #map}]} {
    %mul3A = arith.constant 2 : i32
    %mul3A_0 = arith.muli %arg1, %mul3A : i32
    %add3A = arith.addi %mul3A_0, %arg0 : i32
    %mul3A_1 = arith.constant 12800 : i32
    %mul3A_2 = arith.muli %add3A, %mul3A_1 : i32
    %scan3A = arith.constant 0 : i32
    %scan3A_3 = arith.constant 10 : i32
    %scan3A_4 = arith.addi %scan3A, %scan3A_3 : i32
    %scan3A_5 = arith.constant 1 : i32
    scf.for %scan3A_7 = %scan3A to %scan3A_4 step %scan3A_5  : i32 {
      %mul3A_8 = arith.constant 2 : i32
      %mul3A_9 = arith.muli %scan3A_7, %mul3A_8 : i32
      %add3A_10 = arith.constant 0 : i32
      %add3A_11 = arith.addi %add3A_10, %mul3A_9 : i32
      %mul3A_12 = arith.constant 640 : i32
      %mul3A_13 = arith.muli %add3A_11, %mul3A_12 : i32
      %add3A_14 = arith.addi %mul3A_2, %mul3A_13 : i32
      %add3A_15 = arith.constant 640 : i32
      %add3A_16 = arith.addi %add3A_14, %add3A_15 : i32
      "tpu.region"() ({
        %run_scoped3A = tpu.sem_alloc : memref<!tpu.dma_semaphore, #tpu.memory_space<semaphore_mem>>
        %dma_start3A_39 = tpu.memref_slice %arg3[%add3A_14] : memref<409600xi32, #tpu.memory_space<hbm>> -> memref<640xi32, #tpu.memory_space<hbm>>
        %dma_start3A_40 = tpu.memref_slice %arg3[%add3A_14] : memref<409600xi32, #tpu.memory_space<hbm>> -> memref<640xi32, #tpu.memory_space<hbm>>
        tpu.enqueue_dma source(%dma_start3A_40 : memref<640xi32, #tpu.memory_space<hbm>>) target(%arg6 : memref<640xi32, #tpu.memory_space<vmem>>) target_semaphore(%run_scoped3A : memref<!tpu.dma_semaphore, #tpu.memory_space<semaphore_mem>>)
        %dma_wait3A_41 = tpu.memref_slice %arg3[%add3A_14] : memref<409600xi32, #tpu.memory_space<hbm>> -> memref<640xi32, #tpu.memory_space<hbm>>
        %dma_wait3A_42 = tpu.memref_slice %arg3[%add3A_14] : memref<409600xi32, #tpu.memory_space<hbm>> -> memref<640xi32, #tpu.memory_space<hbm>>
        tpu.wait_dma2 semaphore(%run_scoped3A : memref<!tpu.dma_semaphore, #tpu.memory_space<semaphore_mem>>) src(%dma_wait3A_42 : memref<640xi32, #tpu.memory_space<hbm>>) dst(%arg6 : memref<640xi32, #tpu.memory_space<vmem>>)
        tpu.yield
      }) : () -> ()
      %dma_start3A = arith.constant 0 : i32
      %dma_start3A_17 = arith.constant 0 : i32
      %dma_start3A_18 = tpu.memref_slice %arg2[%dma_start3A, %dma_start3A_17] : memref<1000000x64xf32, #tpu.memory_space<hbm>> -> memref<1000000x64xf32, #tpu.memory_space<hbm>>
      tpu.enqueue_indirect_dma source(%dma_start3A_18 : memref<1000000x64xf32, #tpu.memory_space<hbm>>) target(%arg10 : memref<640x64xf32, #tpu.memory_space<vmem>>) offsets(%arg6 : memref<640xi32, #tpu.memory_space<vmem>>) semaphore(%arg12 : memref<!tpu.dma_semaphore, #tpu.memory_space<semaphore_mem>>)
      "tpu.region"() ({
        %run_scoped3A = tpu.sem_alloc : memref<!tpu.dma_semaphore, #tpu.memory_space<semaphore_mem>>
        %dma_start3A_39 = tpu.memref_slice %arg4[%add3A_14] : memref<409600xi32, #tpu.memory_space<hbm>> -> memref<640xi32, #tpu.memory_space<hbm>>
        %dma_start3A_40 = tpu.memref_slice %arg4[%add3A_14] : memref<409600xi32, #tpu.memory_space<hbm>> -> memref<640xi32, #tpu.memory_space<hbm>>
        tpu.enqueue_dma source(%dma_start3A_40 : memref<640xi32, #tpu.memory_space<hbm>>) target(%arg8 : memref<640xi32, #tpu.memory_space<vmem>>) target_semaphore(%run_scoped3A : memref<!tpu.dma_semaphore, #tpu.memory_space<semaphore_mem>>)
        %dma_wait3A_41 = tpu.memref_slice %arg4[%add3A_14] : memref<409600xi32, #tpu.memory_space<hbm>> -> memref<640xi32, #tpu.memory_space<hbm>>
        %dma_wait3A_42 = tpu.memref_slice %arg4[%add3A_14] : memref<409600xi32, #tpu.memory_space<hbm>> -> memref<640xi32, #tpu.memory_space<hbm>>
        tpu.wait_dma2 semaphore(%run_scoped3A : memref<!tpu.dma_semaphore, #tpu.memory_space<semaphore_mem>>) src(%dma_wait3A_42 : memref<640xi32, #tpu.memory_space<hbm>>) dst(%arg8 : memref<640xi32, #tpu.memory_space<vmem>>)
        tpu.yield
      }) : () -> ()
      "tpu.region"() ({
        %run_scoped3A = tpu.sem_alloc : memref<!tpu.dma_semaphore, #tpu.memory_space<semaphore_mem>>
        %dma_start3A_39 = tpu.memref_slice %arg3[%add3A_16] : memref<409600xi32, #tpu.memory_space<hbm>> -> memref<640xi32, #tpu.memory_space<hbm>>
        %dma_start3A_40 = tpu.memref_slice %arg3[%add3A_16] : memref<409600xi32, #tpu.memory_space<hbm>> -> memref<640xi32, #tpu.memory_space<hbm>>
        tpu.enqueue_dma source(%dma_start3A_40 : memref<640xi32, #tpu.memory_space<hbm>>) target(%arg7 : memref<640xi32, #tpu.memory_space<vmem>>) target_semaphore(%run_scoped3A : memref<!tpu.dma_semaphore, #tpu.memory_space<semaphore_mem>>)
        %dma_wait3A_41 = tpu.memref_slice %arg3[%add3A_16] : memref<409600xi32, #tpu.memory_space<hbm>> -> memref<640xi32, #tpu.memory_space<hbm>>
        %dma_wait3A_42 = tpu.memref_slice %arg3[%add3A_16] : memref<409600xi32, #tpu.memory_space<hbm>> -> memref<640xi32, #tpu.memory_space<hbm>>
        tpu.wait_dma2 semaphore(%run_scoped3A : memref<!tpu.dma_semaphore, #tpu.memory_space<semaphore_mem>>) src(%dma_wait3A_42 : memref<640xi32, #tpu.memory_space<hbm>>) dst(%arg7 : memref<640xi32, #tpu.memory_space<vmem>>)
        tpu.yield
      }) : () -> ()
      %dma_start3A_19 = arith.constant 0 : i32
      %dma_start3A_20 = arith.constant 0 : i32
      %dma_start3A_21 = tpu.memref_slice %arg2[%dma_start3A_19, %dma_start3A_20] : memref<1000000x64xf32, #tpu.memory_space<hbm>> -> memref<1000000x64xf32, #tpu.memory_space<hbm>>
      tpu.enqueue_indirect_dma source(%dma_start3A_21 : memref<1000000x64xf32, #tpu.memory_space<hbm>>) target(%arg11 : memref<640x64xf32, #tpu.memory_space<vmem>>) offsets(%arg7 : memref<640xi32, #tpu.memory_space<vmem>>) semaphore(%arg13 : memref<!tpu.dma_semaphore, #tpu.memory_space<semaphore_mem>>)
      "tpu.region"() ({
        %run_scoped3A = tpu.sem_alloc : memref<!tpu.dma_semaphore, #tpu.memory_space<semaphore_mem>>
        %dma_start3A_39 = tpu.memref_slice %arg4[%add3A_16] : memref<409600xi32, #tpu.memory_space<hbm>> -> memref<640xi32, #tpu.memory_space<hbm>>
        %dma_start3A_40 = tpu.memref_slice %arg4[%add3A_16] : memref<409600xi32, #tpu.memory_space<hbm>> -> memref<640xi32, #tpu.memory_space<hbm>>
        tpu.enqueue_dma source(%dma_start3A_40 : memref<640xi32, #tpu.memory_space<hbm>>) target(%arg9 : memref<640xi32, #tpu.memory_space<vmem>>) target_semaphore(%run_scoped3A : memref<!tpu.dma_semaphore, #tpu.memory_space<semaphore_mem>>)
        %dma_wait3A_41 = tpu.memref_slice %arg4[%add3A_16] : memref<409600xi32, #tpu.memory_space<hbm>> -> memref<640xi32, #tpu.memory_space<hbm>>
        %dma_wait3A_42 = tpu.memref_slice %arg4[%add3A_16] : memref<409600xi32, #tpu.memory_space<hbm>> -> memref<640xi32, #tpu.memory_space<hbm>>
        tpu.wait_dma2 semaphore(%run_scoped3A : memref<!tpu.dma_semaphore, #tpu.memory_space<semaphore_mem>>) src(%dma_wait3A_42 : memref<640xi32, #tpu.memory_space<hbm>>) dst(%arg9 : memref<640xi32, #tpu.memory_space<vmem>>)
        tpu.yield
      }) : () -> ()
      %dma_wait3A = arith.constant 0 : i32
      %dma_wait3A_22 = arith.constant 0 : i32
      %dma_wait3A_23 = tpu.memref_slice %arg2[%dma_wait3A, %dma_wait3A_22] : memref<1000000x64xf32, #tpu.memory_space<hbm>> -> memref<1000000x64xf32, #tpu.memory_space<hbm>>
      tpu.wait_indirect_dma semaphore(%arg12 : memref<!tpu.dma_semaphore, #tpu.memory_space<semaphore_mem>>) src(%dma_wait3A_23 : memref<1000000x64xf32, #tpu.memory_space<hbm>>) dst(%arg10 : memref<640x64xf32, #tpu.memory_space<vmem>>)
      %dma_start3A_24 = arith.constant 0 : i32
      %dma_start3A_25 = arith.constant 0 : i32
      %dma_start3A_26 = tpu.memref_slice %arg5[%dma_start3A_24, %dma_start3A_25] : memref<409600x64xf32, #tpu.memory_space<hbm>> -> memref<409600x64xf32, #tpu.memory_space<hbm>>
      tpu.enqueue_indirect_dma source(%arg10 : memref<640x64xf32, #tpu.memory_space<vmem>>) target(%dma_start3A_26 : memref<409600x64xf32, #tpu.memory_space<hbm>>) offsets(%arg8 : memref<640xi32, #tpu.memory_space<vmem>>) semaphore(%arg14 : memref<!tpu.dma_semaphore, #tpu.memory_space<semaphore_mem>>)
      %dma_wait3A_27 = arith.constant 0 : i32
      %dma_wait3A_28 = arith.constant 0 : i32
      %dma_wait3A_29 = tpu.memref_slice %arg2[%dma_wait3A_27, %dma_wait3A_28] : memref<1000000x64xf32, #tpu.memory_space<hbm>> -> memref<1000000x64xf32, #tpu.memory_space<hbm>>
      tpu.wait_indirect_dma semaphore(%arg13 : memref<!tpu.dma_semaphore, #tpu.memory_space<semaphore_mem>>) src(%dma_wait3A_29 : memref<1000000x64xf32, #tpu.memory_space<hbm>>) dst(%arg11 : memref<640x64xf32, #tpu.memory_space<vmem>>)
      %dma_start3A_30 = arith.constant 0 : i32
      %dma_start3A_31 = arith.constant 0 : i32
      %dma_start3A_32 = tpu.memref_slice %arg5[%dma_start3A_30, %dma_start3A_31] : memref<409600x64xf32, #tpu.memory_space<hbm>> -> memref<409600x64xf32, #tpu.memory_space<hbm>>
      tpu.enqueue_indirect_dma source(%arg11 : memref<640x64xf32, #tpu.memory_space<vmem>>) target(%dma_start3A_32 : memref<409600x64xf32, #tpu.memory_space<hbm>>) offsets(%arg9 : memref<640xi32, #tpu.memory_space<vmem>>) semaphore(%arg15 : memref<!tpu.dma_semaphore, #tpu.memory_space<semaphore_mem>>)
      %dma_wait3A_33 = arith.constant 0 : i32
      %dma_wait3A_34 = arith.constant 0 : i32
      %dma_wait3A_35 = tpu.memref_slice %arg5[%dma_wait3A_33, %dma_wait3A_34] : memref<409600x64xf32, #tpu.memory_space<hbm>> -> memref<409600x64xf32, #tpu.memory_space<hbm>>
      tpu.wait_indirect_dma semaphore(%arg14 : memref<!tpu.dma_semaphore, #tpu.memory_space<semaphore_mem>>) src(%arg10 : memref<640x64xf32, #tpu.memory_space<vmem>>) dst(%dma_wait3A_35 : memref<409600x64xf32, #tpu.memory_space<hbm>>)
      %dma_wait3A_36 = arith.constant 0 : i32
      %dma_wait3A_37 = arith.constant 0 : i32
      %dma_wait3A_38 = tpu.memref_slice %arg5[%dma_wait3A_36, %dma_wait3A_37] : memref<409600x64xf32, #tpu.memory_space<hbm>> -> memref<409600x64xf32, #tpu.memory_space<hbm>>
      tpu.wait_indirect_dma semaphore(%arg15 : memref<!tpu.dma_semaphore, #tpu.memory_space<semaphore_mem>>) src(%arg11 : memref<640x64xf32, #tpu.memory_space<vmem>>) dst(%dma_wait3A_38 : memref<409600x64xf32, #tpu.memory_space<hbm>>)
    }
    %scan3A_6 = arith.constant 10 : i32
    return
  }
}

module attributes {stable_mosaic.version = 14 : i64} {
  func.func @_tc_body(%arg0: i32, %arg1: memref<8192x128xf32, #tpu.memory_space<vmem>>, %arg2: memref<4x1x2048xi32, #tpu.memory_space<vmem>>, %arg3: memref<25x128xf32, #tpu.memory_space<vmem>>, %arg4: memref<1x128xf32, #tpu.memory_space<vmem>>, %arg5: memref<1x128xf32, #tpu.memory_space<vmem>>, %arg6: memref<4x64x4096xf32, #tpu.memory_space<vmem>>) attributes {dimension_semantics = [#tpu.dimension_semantics<arbitrary>], iteration_bounds = array<i64: 25>, scalar_prefetch = 0 : i64, scratch_operands = 0 : i64, tpu.core_type = #tpu.core_type<tc>, window_params = [{transform_indices = @transform_0, window_bounds = array<i64: 8192, 128>}, {transform_indices = @transform_1, window_bounds = array<i64: 4, 1, 2048>}, {pipeline_mode = #tpu.pipeline_mode<synchronous>, transform_indices = @transform_2, window_bounds = array<i64: 25, 128>}, {pipeline_mode = #tpu.pipeline_mode<synchronous>, transform_indices = @transform_3, window_bounds = array<i64: 1, 128>}, {pipeline_mode = #tpu.pipeline_mode<synchronous>, transform_indices = @transform_4, window_bounds = array<i64: 1, 128>}, {transform_indices = @transform_5, window_bounds = array<i64: 4, 64, 4096>}]} {
    %get3A = arith.constant 0 : index
    %get3A_0 = arith.constant 0 : index
    %get3A_1 = vector.load %arg1[%get3A, %get3A_0] : memref<8192x128xf32, #tpu.memory_space<vmem>>, vector<8192x128xf32>
    %get3A_2 = arith.constant 0 : index
    %get3A_3 = arith.constant 0 : index
    %get3A_4 = arith.constant 0 : index
    %get3A_5 = vector.load %arg2[%get3A_2, %get3A_3, %get3A_4] : memref<4x1x2048xi32, #tpu.memory_space<vmem>>, vector<1x1x2048xi32>
    %get3A_6 = vector.shape_cast %get3A_5 : vector<1x1x2048xi32> to vector<1x2048xi32>
    %get3A_7 = arith.constant 1 : index
    %get3A_8 = arith.constant 0 : index
    %get3A_9 = arith.constant 0 : index
    %get3A_10 = vector.load %arg2[%get3A_7, %get3A_8, %get3A_9] : memref<4x1x2048xi32, #tpu.memory_space<vmem>>, vector<1x1x2048xi32>
    %get3A_11 = vector.shape_cast %get3A_10 : vector<1x1x2048xi32> to vector<1x2048xi32>
    %get3A_12 = arith.constant 2 : index
    %get3A_13 = arith.constant 0 : index
    %get3A_14 = arith.constant 0 : index
    %get3A_15 = vector.load %arg2[%get3A_12, %get3A_13, %get3A_14] : memref<4x1x2048xi32, #tpu.memory_space<vmem>>, vector<1x1x2048xi32>
    %get3A_16 = vector.shape_cast %get3A_15 : vector<1x1x2048xi32> to vector<1x2048xi32>
    %get3A_17 = arith.constant 3 : index
    %get3A_18 = arith.constant 0 : index
    %get3A_19 = arith.constant 0 : index
    %get3A_20 = vector.load %arg2[%get3A_17, %get3A_18, %get3A_19] : memref<4x1x2048xi32, #tpu.memory_space<vmem>>, vector<1x1x2048xi32>
    %get3A_21 = vector.shape_cast %get3A_20 : vector<1x1x2048xi32> to vector<1x2048xi32>
    %concatenate3A = tpu.concatenate %get3A_6, %get3A_11, %get3A_16, %get3A_21 in 1 : vector<1x2048xi32>, vector<1x2048xi32>, vector<1x2048xi32>, vector<1x2048xi32> -> vector<1x8192xi32>
    %get3A_22 = arith.constant 0 : index
    %get3A_23 = arith.constant 0 : index
    %get3A_24 = vector.load %arg3[%get3A_22, %get3A_23] : memref<25x128xf32, #tpu.memory_space<vmem>>, vector<25x128xf32>
    %iota3A = tpu.iota {dimensions = array<i32: 0>} : vector<25x8192xi32>
    %eq3A = vector.broadcast %concatenate3A : vector<1x8192xi32> to vector<25x8192xi32>
    %eq3A_25 = arith.cmpi eq, %eq3A, %iota3A : vector<25x8192xi32>
    %convert_element_type3A = arith.extui %eq3A_25 : vector<25x8192xi1> to vector<25x8192xi32>
    %convert_element_type3A_26 = arith.sitofp %convert_element_type3A : vector<25x8192xi32> to vector<25x8192xf32>
    %dot_general3A = arith.constant dense<0.000000e+00> : vector<8192x128xf32>
    %dot_general3A_27 = tpu.matmul %convert_element_type3A_26, %get3A_24, %dot_general3A {dimension_numbers = #tpu.dot_dimension_numbers<[0], [0], [1], [1], [0, 1, 1, 1], [], []>, transpose_lhs_hint = false} : vector<25x8192xf32>, vector<25x128xf32>, vector<8192x128xf32> -> vector<8192x128xf32>
    %add3A = arith.addf %get3A_1, %dot_general3A_27 : vector<8192x128xf32>
    %iota3A_28 = tpu.iota {dimensions = array<i32: 0>} : vector<128x128xi32>
    %iota3A_29 = tpu.iota {dimensions = array<i32: 1>} : vector<128x128xi32>
    %lt3A = arith.constant 64 : i32
    %lt3A_30 = vector.broadcast %lt3A : i32 to vector<128x128xi32>
    %lt3A_31 = arith.cmpi slt, %iota3A_28, %lt3A_30 : vector<128x128xi32>
    %lt3A_32 = arith.constant 64 : i32
    %lt3A_33 = vector.broadcast %lt3A_32 : i32 to vector<128x128xi32>
    %lt3A_34 = arith.cmpi slt, %iota3A_29, %lt3A_33 : vector<128x128xi32>
    %eq3A_35 = arith.xori %lt3A_31, %lt3A_34 : vector<128x128xi1>
    %eq3A_36 = arith.constant dense<true> : vector<128x128xi1>
    %eq3A_37 = arith.xori %eq3A_35, %eq3A_36 : vector<128x128xi1>
    %jit3A = arith.constant 1.562500e-02 : f32
    %jit3A_38 = arith.constant 0.000000e+00 : f32
    %broadcast_in_dim3A = vector.broadcast %jit3A : f32 to vector<128x128xf32>
    %broadcast_in_dim3A_39 = vector.broadcast %jit3A_38 : f32 to vector<128x128xf32>
    %select_n3A = arith.select %eq3A_37, %broadcast_in_dim3A, %broadcast_in_dim3A_39 : vector<128x128xi1>, vector<128x128xf32>
    %dot_general3A_40 = arith.constant dense<0.000000e+00> : vector<8192x128xf32>
    %dot_general3A_41 = tpu.matmul %add3A, %select_n3A, %dot_general3A_40 {dimension_numbers = #tpu.dot_dimension_numbers<[1], [0], [0], [1], [0, 0, 1, 1], [], []>, transpose_lhs_hint = false} : vector<8192x128xf32>, vector<128x128xf32>, vector<8192x128xf32> -> vector<8192x128xf32>
    %sub3A = arith.subf %add3A, %dot_general3A_41 : vector<8192x128xf32>
    %mul3A = arith.mulf %sub3A, %sub3A : vector<8192x128xf32>
    %dot_general3A_42 = arith.constant dense<0.000000e+00> : vector<8192x128xf32>
    %dot_general3A_43 = tpu.matmul %mul3A, %select_n3A, %dot_general3A_42 {dimension_numbers = #tpu.dot_dimension_numbers<[1], [0], [0], [1], [0, 0, 1, 1], [], []>, transpose_lhs_hint = false} : vector<8192x128xf32>, vector<128x128xf32>, vector<8192x128xf32> -> vector<8192x128xf32>
    %add3A_44 = arith.constant 9.99999996E-13 : f32
    %add3A_45 = vector.broadcast %add3A_44 : f32 to vector<8192x128xf32>
    %add3A_46 = arith.addf %dot_general3A_43, %add3A_45 : vector<8192x128xf32>
    %rsqrt3A = math.rsqrt %add3A_46 : vector<8192x128xf32>
    %mul3A_47 = arith.mulf %sub3A, %rsqrt3A : vector<8192x128xf32>
    %get3A_48 = arith.constant 0 : index
    %get3A_49 = arith.constant 0 : index
    %get3A_50 = vector.load %arg4[%get3A_48, %get3A_49] : memref<1x128xf32, #tpu.memory_space<vmem>>, vector<1x128xf32>
    %mul3A_51 = vector.broadcast %get3A_50 : vector<1x128xf32> to vector<8192x128xf32>
    %mul3A_52 = arith.mulf %mul3A_47, %mul3A_51 : vector<8192x128xf32>
    %get3A_53 = arith.constant 0 : index
    %get3A_54 = arith.constant 0 : index
    %get3A_55 = vector.load %arg5[%get3A_53, %get3A_54] : memref<1x128xf32, #tpu.memory_space<vmem>>, vector<1x128xf32>
    %add3A_56 = vector.broadcast %get3A_55 : vector<1x128xf32> to vector<8192x128xf32>
    %add3A_57 = arith.addf %mul3A_52, %add3A_56 : vector<8192x128xf32>
    %transpose3A = tpu.transpose %add3A_57, [1, 0] : vector<8192x128xf32> -> vector<128x8192xf32>
    %slice3A = vector.extract_strided_slice %transpose3A {offsets = [0, 0], sizes = [64, 2048], strides = [1, 1]} : vector<128x8192xf32> to vector<64x2048xf32>
    %slice3A_58 = vector.extract_strided_slice %transpose3A {offsets = [64, 0], sizes = [64, 2048], strides = [1, 1]} : vector<128x8192xf32> to vector<64x2048xf32>
    %concatenate3A_59 = tpu.concatenate %slice3A, %slice3A_58 in 1 : vector<64x2048xf32>, vector<64x2048xf32> -> vector<64x4096xf32>
    %swap3A = arith.constant 0 : index
    %swap3A_60 = arith.constant 0 : index
    %swap3A_61 = arith.constant 0 : index
    %swap3A_62 = vector.load %arg6[%swap3A, %swap3A_60, %swap3A_61] : memref<4x64x4096xf32, #tpu.memory_space<vmem>>, vector<1x64x4096xf32>
    %swap3A_63 = vector.shape_cast %swap3A_62 : vector<1x64x4096xf32> to vector<64x4096xf32>
    %swap3A_64 = vector.shape_cast %concatenate3A_59 : vector<64x4096xf32> to vector<1x64x4096xf32>
    tpu.vector_store %arg6[%swap3A, %swap3A_60, %swap3A_61], %swap3A_64 {strides = array<i32>} : memref<4x64x4096xf32, #tpu.memory_space<vmem>>, vector<1x64x4096xf32>,
    %slice3A_65 = vector.extract_strided_slice %transpose3A {offsets = [0, 2048], sizes = [64, 2048], strides = [1, 1]} : vector<128x8192xf32> to vector<64x2048xf32>
    %slice3A_66 = vector.extract_strided_slice %transpose3A {offsets = [64, 2048], sizes = [64, 2048], strides = [1, 1]} : vector<128x8192xf32> to vector<64x2048xf32>
    %concatenate3A_67 = tpu.concatenate %slice3A_65, %slice3A_66 in 1 : vector<64x2048xf32>, vector<64x2048xf32> -> vector<64x4096xf32>
    %swap3A_68 = arith.constant 1 : index
    %swap3A_69 = arith.constant 0 : index
    %swap3A_70 = arith.constant 0 : index
    %swap3A_71 = vector.load %arg6[%swap3A_68, %swap3A_69, %swap3A_70] : memref<4x64x4096xf32, #tpu.memory_space<vmem>>, vector<1x64x4096xf32>
    %swap3A_72 = vector.shape_cast %swap3A_71 : vector<1x64x4096xf32> to vector<64x4096xf32>
    %swap3A_73 = vector.shape_cast %concatenate3A_67 : vector<64x4096xf32> to vector<1x64x4096xf32>
    tpu.vector_store %arg6[%swap3A_68, %swap3A_69, %swap3A_70], %swap3A_73 {strides = array<i32>} : memref<4x64x4096xf32, #tpu.memory_space<vmem>>, vector<1x64x4096xf32>,
    %slice3A_74 = vector.extract_strided_slice %transpose3A {offsets = [0, 4096], sizes = [64, 2048], strides = [1, 1]} : vector<128x8192xf32> to vector<64x2048xf32>
    %slice3A_75 = vector.extract_strided_slice %transpose3A {offsets = [64, 4096], sizes = [64, 2048], strides = [1, 1]} : vector<128x8192xf32> to vector<64x2048xf32>
    %concatenate3A_76 = tpu.concatenate %slice3A_74, %slice3A_75 in 1 : vector<64x2048xf32>, vector<64x2048xf32> -> vector<64x4096xf32>
    %swap3A_77 = arith.constant 2 : index
    %swap3A_78 = arith.constant 0 : index
    %swap3A_79 = arith.constant 0 : index
    %swap3A_80 = vector.load %arg6[%swap3A_77, %swap3A_78, %swap3A_79] : memref<4x64x4096xf32, #tpu.memory_space<vmem>>, vector<1x64x4096xf32>
    %swap3A_81 = vector.shape_cast %swap3A_80 : vector<1x64x4096xf32> to vector<64x4096xf32>
    %swap3A_82 = vector.shape_cast %concatenate3A_76 : vector<64x4096xf32> to vector<1x64x4096xf32>
    tpu.vector_store %arg6[%swap3A_77, %swap3A_78, %swap3A_79], %swap3A_82 {strides = array<i32>} : memref<4x64x4096xf32, #tpu.memory_space<vmem>>, vector<1x64x4096xf32>,
    %slice3A_83 = vector.extract_strided_slice %transpose3A {offsets = [0, 6144], sizes = [64, 2048], strides = [1, 1]} : vector<128x8192xf32> to vector<64x2048xf32>
    %slice3A_84 = vector.extract_strided_slice %transpose3A {offsets = [64, 6144], sizes = [64, 2048], strides = [1, 1]} : vector<128x8192xf32> to vector<64x2048xf32>
    %concatenate3A_85 = tpu.concatenate %slice3A_83, %slice3A_84 in 1 : vector<64x2048xf32>, vector<64x2048xf32> -> vector<64x4096xf32>
    %swap3A_86 = arith.constant 3 : index
    %swap3A_87 = arith.constant 0 : index
    %swap3A_88 = arith.constant 0 : index
    %swap3A_89 = vector.load %arg6[%swap3A_86, %swap3A_87, %swap3A_88] : memref<4x64x4096xf32, #tpu.memory_space<vmem>>, vector<1x64x4096xf32>
    %swap3A_90 = vector.shape_cast %swap3A_89 : vector<1x64x4096xf32> to vector<64x4096xf32>
    %swap3A_91 = vector.shape_cast %concatenate3A_85 : vector<64x4096xf32> to vector<1x64x4096xf32>
    tpu.vector_store %arg6[%swap3A_86, %swap3A_87, %swap3A_88], %swap3A_91 {strides = array<i32>} : memref<4x64x4096xf32, #tpu.memory_space<vmem>>, vector<1x64x4096xf32>,
    return
  }
  func.func @transform_0(%arg0: i32) -> (i32, i32) {
    %c0_i32 = arith.constant 0 : i32
    %c0_i32_0 = arith.constant 0 : i32
    return %arg0, %c0_i32 : i32, i32
  }
  func.func @transform_1(%arg0: i32) -> (i32, i32, i32) {
    %add3A = arith.constant 0 : i32
    %add3A_0 = arith.addi %arg0, %add3A : i32
    %c0_i32 = arith.constant 0 : i32
    %c0_i32_1 = arith.constant 0 : i32
    %c0_i32_2 = arith.constant 0 : i32
    return %add3A_0, %c0_i32, %c0_i32_1 : i32, i32, i32
  }
  func.func @transform_2(%arg0: i32) -> (i32, i32) {
    %c0_i32 = arith.constant 0 : i32
    %c0_i32_0 = arith.constant 0 : i32
    %c0_i32_1 = arith.constant 0 : i32
    return %c0_i32, %c0_i32_0 : i32, i32
  }
  func.func @transform_3(%arg0: i32) -> (i32, i32) {
    %c0_i32 = arith.constant 0 : i32
    %c0_i32_0 = arith.constant 0 : i32
    %c0_i32_1 = arith.constant 0 : i32
    return %c0_i32, %c0_i32_0 : i32, i32
  }
  func.func @transform_4(%arg0: i32) -> (i32, i32) {
    %c0_i32 = arith.constant 0 : i32
    %c0_i32_0 = arith.constant 0 : i32
    %c0_i32_1 = arith.constant 0 : i32
    return %c0_i32, %c0_i32_0 : i32, i32
  }
  func.func @transform_5(%arg0: i32) -> (i32, i32, i32) {
    %add3A = arith.constant 0 : i32
    %add3A_0 = arith.addi %arg0, %add3A : i32
    %c0_i32 = arith.constant 0 : i32
    %c0_i32_1 = arith.constant 0 : i32
    %c0_i32_2 = arith.constant 0 : i32
    return %add3A_0, %c0_i32, %c0_i32_1 : i32, i32, i32
  }
}

module attributes {stable_mosaic.version = 14 : i64} {
  func.func @_tc_body_aliased(%arg0: i32, %arg1: memref<8192x128xf32, #tpu.memory_space<vmem>>, %arg2: memref<4x1x2048xi32, #tpu.memory_space<vmem>>, %arg3: memref<25x128xf32, #tpu.memory_space<vmem>>, %arg4: memref<1x128xf32, #tpu.memory_space<vmem>>, %arg5: memref<1x128xf32, #tpu.memory_space<vmem>>, %arg6: memref<200x64x4096xf32, #tpu.memory_space<any>>, %arg7: memref<4x64x4096xf32, #tpu.memory_space<vmem>>) attributes {dimension_semantics = [#tpu.dimension_semantics<arbitrary>], iteration_bounds = array<i64: 25>, scalar_prefetch = 0 : i64, scratch_operands = 0 : i64, tpu.core_type = #tpu.core_type<tc>, window_params = [{transform_indices = @transform_0, window_bounds = array<i64: 8192, 128>}, {transform_indices = @transform_1, window_bounds = array<i64: 4, 1, 2048>}, {pipeline_mode = #tpu.pipeline_mode<synchronous>, transform_indices = @transform_2, window_bounds = array<i64: 25, 128>}, {pipeline_mode = #tpu.pipeline_mode<synchronous>, transform_indices = @transform_3, window_bounds = array<i64: 1, 128>}, {pipeline_mode = #tpu.pipeline_mode<synchronous>, transform_indices = @transform_4, window_bounds = array<i64: 1, 128>}, {}, {transform_indices = @transform_6, window_bounds = array<i64: 4, 64, 4096>}]} {
    %get3A = arith.constant 0 : index
    %get3A_0 = arith.constant 0 : index
    %get3A_1 = vector.load %arg1[%get3A, %get3A_0] : memref<8192x128xf32, #tpu.memory_space<vmem>>, vector<8192x128xf32>
    %get3A_2 = arith.constant 0 : index
    %get3A_3 = arith.constant 0 : index
    %get3A_4 = arith.constant 0 : index
    %get3A_5 = vector.load %arg2[%get3A_2, %get3A_3, %get3A_4] : memref<4x1x2048xi32, #tpu.memory_space<vmem>>, vector<1x1x2048xi32>
    %get3A_6 = vector.shape_cast %get3A_5 : vector<1x1x2048xi32> to vector<1x2048xi32>
    %get3A_7 = arith.constant 1 : index
    %get3A_8 = arith.constant 0 : index
    %get3A_9 = arith.constant 0 : index
    %get3A_10 = vector.load %arg2[%get3A_7, %get3A_8, %get3A_9] : memref<4x1x2048xi32, #tpu.memory_space<vmem>>, vector<1x1x2048xi32>
    %get3A_11 = vector.shape_cast %get3A_10 : vector<1x1x2048xi32> to vector<1x2048xi32>
    %get3A_12 = arith.constant 2 : index
    %get3A_13 = arith.constant 0 : index
    %get3A_14 = arith.constant 0 : index
    %get3A_15 = vector.load %arg2[%get3A_12, %get3A_13, %get3A_14] : memref<4x1x2048xi32, #tpu.memory_space<vmem>>, vector<1x1x2048xi32>
    %get3A_16 = vector.shape_cast %get3A_15 : vector<1x1x2048xi32> to vector<1x2048xi32>
    %get3A_17 = arith.constant 3 : index
    %get3A_18 = arith.constant 0 : index
    %get3A_19 = arith.constant 0 : index
    %get3A_20 = vector.load %arg2[%get3A_17, %get3A_18, %get3A_19] : memref<4x1x2048xi32, #tpu.memory_space<vmem>>, vector<1x1x2048xi32>
    %get3A_21 = vector.shape_cast %get3A_20 : vector<1x1x2048xi32> to vector<1x2048xi32>
    %concatenate3A = tpu.concatenate %get3A_6, %get3A_11, %get3A_16, %get3A_21 in 1 : vector<1x2048xi32>, vector<1x2048xi32>, vector<1x2048xi32>, vector<1x2048xi32> -> vector<1x8192xi32>
    %get3A_22 = arith.constant 0 : index
    %get3A_23 = arith.constant 0 : index
    %get3A_24 = vector.load %arg3[%get3A_22, %get3A_23] : memref<25x128xf32, #tpu.memory_space<vmem>>, vector<25x128xf32>
    %iota3A = tpu.iota {dimensions = array<i32: 0>} : vector<25x8192xi32>
    %eq3A = vector.broadcast %concatenate3A : vector<1x8192xi32> to vector<25x8192xi32>
    %eq3A_25 = arith.cmpi eq, %eq3A, %iota3A : vector<25x8192xi32>
    %convert_element_type3A = arith.extui %eq3A_25 : vector<25x8192xi1> to vector<25x8192xi32>
    %convert_element_type3A_26 = arith.sitofp %convert_element_type3A : vector<25x8192xi32> to vector<25x8192xf32>
    %dot_general3A = arith.constant dense<0.000000e+00> : vector<8192x128xf32>
    %dot_general3A_27 = tpu.matmul %convert_element_type3A_26, %get3A_24, %dot_general3A {dimension_numbers = #tpu.dot_dimension_numbers<[0], [0], [1], [1], [0, 1, 1, 1], [], []>, transpose_lhs_hint = false} : vector<25x8192xf32>, vector<25x128xf32>, vector<8192x128xf32> -> vector<8192x128xf32>
    %add3A = arith.addf %get3A_1, %dot_general3A_27 : vector<8192x128xf32>
    %iota3A_28 = tpu.iota {dimensions = array<i32: 0>} : vector<128x128xi32>
    %iota3A_29 = tpu.iota {dimensions = array<i32: 1>} : vector<128x128xi32>
    %lt3A = arith.constant 64 : i32
    %lt3A_30 = vector.broadcast %lt3A : i32 to vector<128x128xi32>
    %lt3A_31 = arith.cmpi slt, %iota3A_28, %lt3A_30 : vector<128x128xi32>
    %lt3A_32 = arith.constant 64 : i32
    %lt3A_33 = vector.broadcast %lt3A_32 : i32 to vector<128x128xi32>
    %lt3A_34 = arith.cmpi slt, %iota3A_29, %lt3A_33 : vector<128x128xi32>
    %eq3A_35 = arith.xori %lt3A_31, %lt3A_34 : vector<128x128xi1>
    %eq3A_36 = arith.constant dense<true> : vector<128x128xi1>
    %eq3A_37 = arith.xori %eq3A_35, %eq3A_36 : vector<128x128xi1>
    %jit3A = arith.constant 1.562500e-02 : f32
    %jit3A_38 = arith.constant 0.000000e+00 : f32
    %broadcast_in_dim3A = vector.broadcast %jit3A : f32 to vector<128x128xf32>
    %broadcast_in_dim3A_39 = vector.broadcast %jit3A_38 : f32 to vector<128x128xf32>
    %select_n3A = arith.select %eq3A_37, %broadcast_in_dim3A, %broadcast_in_dim3A_39 : vector<128x128xi1>, vector<128x128xf32>
    %dot_general3A_40 = arith.constant dense<0.000000e+00> : vector<8192x128xf32>
    %dot_general3A_41 = tpu.matmul %add3A, %select_n3A, %dot_general3A_40 {dimension_numbers = #tpu.dot_dimension_numbers<[1], [0], [0], [1], [0, 0, 1, 1], [], []>, transpose_lhs_hint = false} : vector<8192x128xf32>, vector<128x128xf32>, vector<8192x128xf32> -> vector<8192x128xf32>
    %sub3A = arith.subf %add3A, %dot_general3A_41 : vector<8192x128xf32>
    %mul3A = arith.mulf %sub3A, %sub3A : vector<8192x128xf32>
    %dot_general3A_42 = arith.constant dense<0.000000e+00> : vector<8192x128xf32>
    %dot_general3A_43 = tpu.matmul %mul3A, %select_n3A, %dot_general3A_42 {dimension_numbers = #tpu.dot_dimension_numbers<[1], [0], [0], [1], [0, 0, 1, 1], [], []>, transpose_lhs_hint = false} : vector<8192x128xf32>, vector<128x128xf32>, vector<8192x128xf32> -> vector<8192x128xf32>
    %add3A_44 = arith.constant 9.99999996E-13 : f32
    %add3A_45 = vector.broadcast %add3A_44 : f32 to vector<8192x128xf32>
    %add3A_46 = arith.addf %dot_general3A_43, %add3A_45 : vector<8192x128xf32>
    %rsqrt3A = math.rsqrt %add3A_46 : vector<8192x128xf32>
    %mul3A_47 = arith.mulf %sub3A, %rsqrt3A : vector<8192x128xf32>
    %get3A_48 = arith.constant 0 : index
    %get3A_49 = arith.constant 0 : index
    %get3A_50 = vector.load %arg4[%get3A_48, %get3A_49] : memref<1x128xf32, #tpu.memory_space<vmem>>, vector<1x128xf32>
    %mul3A_51 = vector.broadcast %get3A_50 : vector<1x128xf32> to vector<8192x128xf32>
    %mul3A_52 = arith.mulf %mul3A_47, %mul3A_51 : vector<8192x128xf32>
    %get3A_53 = arith.constant 0 : index
    %get3A_54 = arith.constant 0 : index
    %get3A_55 = vector.load %arg5[%get3A_53, %get3A_54] : memref<1x128xf32, #tpu.memory_space<vmem>>, vector<1x128xf32>
    %add3A_56 = vector.broadcast %get3A_55 : vector<1x128xf32> to vector<8192x128xf32>
    %add3A_57 = arith.addf %mul3A_52, %add3A_56 : vector<8192x128xf32>
    %transpose3A = tpu.transpose %add3A_57, [1, 0] : vector<8192x128xf32> -> vector<128x8192xf32>
    %slice3A = vector.extract_strided_slice %transpose3A {offsets = [0, 0], sizes = [64, 2048], strides = [1, 1]} : vector<128x8192xf32> to vector<64x2048xf32>
    %slice3A_58 = vector.extract_strided_slice %transpose3A {offsets = [64, 0], sizes = [64, 2048], strides = [1, 1]} : vector<128x8192xf32> to vector<64x2048xf32>
    %concatenate3A_59 = tpu.concatenate %slice3A, %slice3A_58 in 1 : vector<64x2048xf32>, vector<64x2048xf32> -> vector<64x4096xf32>
    %swap3A = arith.constant 0 : index
    %swap3A_60 = arith.constant 0 : index
    %swap3A_61 = arith.constant 0 : index
    %swap3A_62 = vector.load %arg7[%swap3A, %swap3A_60, %swap3A_61] : memref<4x64x4096xf32, #tpu.memory_space<vmem>>, vector<1x64x4096xf32>
    %swap3A_63 = vector.shape_cast %swap3A_62 : vector<1x64x4096xf32> to vector<64x4096xf32>
    %swap3A_64 = vector.shape_cast %concatenate3A_59 : vector<64x4096xf32> to vector<1x64x4096xf32>
    tpu.vector_store %arg7[%swap3A, %swap3A_60, %swap3A_61], %swap3A_64 {strides = array<i32>} : memref<4x64x4096xf32, #tpu.memory_space<vmem>>, vector<1x64x4096xf32>,
    %slice3A_65 = vector.extract_strided_slice %transpose3A {offsets = [0, 2048], sizes = [64, 2048], strides = [1, 1]} : vector<128x8192xf32> to vector<64x2048xf32>
    %slice3A_66 = vector.extract_strided_slice %transpose3A {offsets = [64, 2048], sizes = [64, 2048], strides = [1, 1]} : vector<128x8192xf32> to vector<64x2048xf32>
    %concatenate3A_67 = tpu.concatenate %slice3A_65, %slice3A_66 in 1 : vector<64x2048xf32>, vector<64x2048xf32> -> vector<64x4096xf32>
    %swap3A_68 = arith.constant 1 : index
    %swap3A_69 = arith.constant 0 : index
    %swap3A_70 = arith.constant 0 : index
    %swap3A_71 = vector.load %arg7[%swap3A_68, %swap3A_69, %swap3A_70] : memref<4x64x4096xf32, #tpu.memory_space<vmem>>, vector<1x64x4096xf32>
    %swap3A_72 = vector.shape_cast %swap3A_71 : vector<1x64x4096xf32> to vector<64x4096xf32>
    %swap3A_73 = vector.shape_cast %concatenate3A_67 : vector<64x4096xf32> to vector<1x64x4096xf32>
    tpu.vector_store %arg7[%swap3A_68, %swap3A_69, %swap3A_70], %swap3A_73 {strides = array<i32>} : memref<4x64x4096xf32, #tpu.memory_space<vmem>>, vector<1x64x4096xf32>,
    %slice3A_74 = vector.extract_strided_slice %transpose3A {offsets = [0, 4096], sizes = [64, 2048], strides = [1, 1]} : vector<128x8192xf32> to vector<64x2048xf32>
    %slice3A_75 = vector.extract_strided_slice %transpose3A {offsets = [64, 4096], sizes = [64, 2048], strides = [1, 1]} : vector<128x8192xf32> to vector<64x2048xf32>
    %concatenate3A_76 = tpu.concatenate %slice3A_74, %slice3A_75 in 1 : vector<64x2048xf32>, vector<64x2048xf32> -> vector<64x4096xf32>
    %swap3A_77 = arith.constant 2 : index
    %swap3A_78 = arith.constant 0 : index
    %swap3A_79 = arith.constant 0 : index
    %swap3A_80 = vector.load %arg7[%swap3A_77, %swap3A_78, %swap3A_79] : memref<4x64x4096xf32, #tpu.memory_space<vmem>>, vector<1x64x4096xf32>
    %swap3A_81 = vector.shape_cast %swap3A_80 : vector<1x64x4096xf32> to vector<64x4096xf32>
    %swap3A_82 = vector.shape_cast %concatenate3A_76 : vector<64x4096xf32> to vector<1x64x4096xf32>
    tpu.vector_store %arg7[%swap3A_77, %swap3A_78, %swap3A_79], %swap3A_82 {strides = array<i32>} : memref<4x64x4096xf32, #tpu.memory_space<vmem>>, vector<1x64x4096xf32>,
    %slice3A_83 = vector.extract_strided_slice %transpose3A {offsets = [0, 6144], sizes = [64, 2048], strides = [1, 1]} : vector<128x8192xf32> to vector<64x2048xf32>
    %slice3A_84 = vector.extract_strided_slice %transpose3A {offsets = [64, 6144], sizes = [64, 2048], strides = [1, 1]} : vector<128x8192xf32> to vector<64x2048xf32>
    %concatenate3A_85 = tpu.concatenate %slice3A_83, %slice3A_84 in 1 : vector<64x2048xf32>, vector<64x2048xf32> -> vector<64x4096xf32>
    %swap3A_86 = arith.constant 3 : index
    %swap3A_87 = arith.constant 0 : index
    %swap3A_88 = arith.constant 0 : index
    %swap3A_89 = vector.load %arg7[%swap3A_86, %swap3A_87, %swap3A_88] : memref<4x64x4096xf32, #tpu.memory_space<vmem>>, vector<1x64x4096xf32>
    %swap3A_90 = vector.shape_cast %swap3A_89 : vector<1x64x4096xf32> to vector<64x4096xf32>
    %swap3A_91 = vector.shape_cast %concatenate3A_85 : vector<64x4096xf32> to vector<1x64x4096xf32>
    tpu.vector_store %arg7[%swap3A_86, %swap3A_87, %swap3A_88], %swap3A_91 {strides = array<i32>} : memref<4x64x4096xf32, #tpu.memory_space<vmem>>, vector<1x64x4096xf32>,
    return
  }
  func.func @transform_0(%arg0: i32) -> (i32, i32) {
    %c0_i32 = arith.constant 0 : i32
    %c0_i32_0 = arith.constant 0 : i32
    return %arg0, %c0_i32 : i32, i32
  }
  func.func @transform_1(%arg0: i32) -> (i32, i32, i32) {
    %add3A = arith.constant 25 : i32
    %add3A_0 = arith.addi %arg0, %add3A : i32
    %c0_i32 = arith.constant 0 : i32
    %c0_i32_1 = arith.constant 0 : i32
    %c0_i32_2 = arith.constant 0 : i32
    return %add3A_0, %c0_i32, %c0_i32_1 : i32, i32, i32
  }
  func.func @transform_2(%arg0: i32) -> (i32, i32) {
    %c0_i32 = arith.constant 0 : i32
    %c0_i32_0 = arith.constant 0 : i32
    %c0_i32_1 = arith.constant 0 : i32
    return %c0_i32, %c0_i32_0 : i32, i32
  }
  func.func @transform_3(%arg0: i32) -> (i32, i32) {
    %c0_i32 = arith.constant 0 : i32
    %c0_i32_0 = arith.constant 0 : i32
    %c0_i32_1 = arith.constant 0 : i32
    return %c0_i32, %c0_i32_0 : i32, i32
  }
  func.func @transform_4(%arg0: i32) -> (i32, i32) {
    %c0_i32 = arith.constant 0 : i32
    %c0_i32_0 = arith.constant 0 : i32
    %c0_i32_1 = arith.constant 0 : i32
    return %c0_i32, %c0_i32_0 : i32, i32
  }
  func.func @transform_6(%arg0: i32) -> (i32, i32, i32) {
    %add3A = arith.constant 25 : i32
    %add3A_0 = arith.addi %arg0, %add3A : i32
    %c0_i32 = arith.constant 0 : i32
    %c0_i32_1 = arith.constant 0 : i32
    %c0_i32_2 = arith.constant 0 : i32
    return %add3A_0, %c0_i32, %c0_i32_1 : i32, i32, i32
  }
}

</mosaic_0001>

<sc_bundles>
// kernel: kernel.6.cloned.1.call-start
scs
__scs_entry_jumppad:
0x0: {  	(pc) =	sbr.rel $0x88, $3  }
0x1: {  	(tag) =	ssettag $0x0;
	lr =	simm.s32 $0x1  }
0x2: {  	[smem:$0x3F9B] =	sst lr;
	_ =	strace $0xD0000000  }
0x3: {  	_ = 	snop  }
0x4: {  	_ = 	snop  }
0x5: {  	_ = 	snop  }
0x6: {  	_ = 	snop  }
0x7: {  	_ = 	snop  }
__scs_overlays_trampoline_lowered:
0x8: {  	[smem:$0x3FAA] =	sst s0  }
0x9: {  	[smem:$0x3FAB] =	sst s1  }
0xa: {  	[smem:$0x3FAC] =	sst s2  }
0xb: {  	[smem:$0x3FAD] =	sst s3  }
0xc: {  	[smem:$0x3FAE] =	sst s4  }
0xd: {  	[smem:$0x3FAF] =	sst s5  }
0xe: {  	[smem:$0x3FB0] =	sst s6  }
0xf: {  	[smem:$0x3FB1] =	sst s7  }
0x10: {  	[smem:$0x3FB2] =	sst s8  }
0x11: {  	[smem:$0x3FB3] =	sst s9;
	s0 =	simm.s32 @!p0 $0x0  }
0x12: {  	s1 =	sld [smem:$0x3F99];
	s0 =	simm.s32 @p0 $0x1  }
0x13: {  	[smem:$0x3FB4] =	sst s0;
	s0 =	simm.s32 @!p1 $0x0  }
0x14: {  	s2 =	sld [smem:$0x3F98];
	s0 =	simm.s32 @p1 $0x1  }
0x15: {  	[smem:$0x3FB5] =	sst s0;
	s0 =	simm.s32 @!p2 $0x0  }
0x16: {  	s3 =	sld [smem:$0x3FDB];
	s0 =	simm.s32 @p2 $0x1  }
0x17: {  	s4 =	simm.s32 $0x1BF5;
	[smem:$0x3FB7] =	sst s0  }
0x18: {  	s0 =	sld [smem:$0x3F9A];
	_ =	swait.ge [sflag:s4], $0x0  }
0x19: {  	s7 =	sld [smem:$0x3F9B]  }
0x1a: {  	s8 =	sadd.s32 $0xFFFFE003, lr  }
0x1b: {  	s9 =	sadd.s32 $0xFFFFFEF7, lr;
	s5 =	simm.s32 $0xFFFFFFFF;
	p2 =	slt.u32 s8, $0xFFFFF086  }
0x1c: {  	p1 =	slt.u32 s9, $0xF7A;
	s5 =	simm.s32 @!p2 $0x0  }
0x1d: {  	s5 =	simm.s32 @p1 $0x1;
	p0 =	seq.s32 s7, s2  }
0x1e: {  	s7 =	smul.u32 @!p0 $0xF7A, s2;
	p2 =	seq.s32 @!p0 s5, $0x0  }
0x1f: {  	s9 =	smul.u32 $0xF7A, s1;
	s8 =	simm.s32 @!p0 $0x1BF5;
	p2 =	por !p2, p0  }
0x20: {  	[sflag:s8] =	ssyncset.s32 @!p0 $0xFFFFF086;
	s6 =	sadd.s32 @!p0 s3, s7;
	s7 =	simm.s32 @!p0 $0x108  }
0x21: {  	s3 =	sadd.s32 s3, s9;
	s6 =	sadd.s32 @!p0 $0x88, s6;
	s7 =	simm.s32 @p2 $0x1082  }
0x22: {  	[simem:s7], [sflag:s8] =	dma.local @!p0 [hbm:s6], $0xF7A  }
0x23: {  	s9 =	sor.u32 $0xD0000000, s2;
	s6 =	simm.s32 $0x108;
	_ =	swait.ge @!p0 [sflag:s8], $0x0  }
0x24: {  	s3 =	sadd.s32 $0x88, s3;
	s6 =	simm.s32 @!p1 $0x1082;
	[sflag:s4] =	ssyncset.s32 $0xFFFFF086  }
0x25: {  	[simem:s6], [sflag:s4] =	dma.local [hbm:s3], $0xF7A  }
0x26: {  	[smem:$0x3F9B] =	sst s1;
	(tag) =	ssettag s2;
	_ =	strace s9  }
0x27: {  	s1 =	sld [smem:$0x3FAB]  }
0x28: {  	s2 =	sld [smem:$0x3FAC]  }
0x29: {  	s4 =	sld [smem:$0x3FAE]  }
0x2a: {  	p0 =	seq.s32 s5, $0x0;
	s5 =	sld [smem:$0x3FAF]  }
0x2b: {  	s6 =	sld [smem:$0x3FB0]  }
0x2c: {  	s7 =	sld [smem:$0x3FB1]  }
0x2d: {  	s3 =	simm.s32 $0x108;
	s8 =	sld [smem:$0x3FB2]  }
0x2e: {  	s3 =	simm.s32 @!p0 $0x1082;
	s9 =	sld [smem:$0x3FB3]  }
0x2f: {  	lr =	sadd.s32 s0, s3;
	s0 =	sld [smem:$0x3FAA]  }
0x30: {  	s3 =	sld [smem:$0x3FAD]  }
0x31: {  	[smem:$0x3FB6] =	sst s10  }
0x32: {  	s10 =	sld [smem:$0x3FB4];
	_ =	sdelay $0x3  }
0x33: {  	p0 =	seq.s32 s10, $0x1;
	s10 =	sld [smem:$0x3FB6];
	_ =	sdelay $0x3  }
0x34: {  	[smem:$0x3FB6] =	sst s10  }
0x35: {  	s10 =	sld [smem:$0x3FB5];
	_ =	sdelay $0x3  }
0x36: {  	p1 =	seq.s32 s10, $0x1;
	s10 =	sld [smem:$0x3FB6];
	_ =	sdelay $0x3  }
0x37: {  	[smem:$0x3FB6] =	sst s10  }
0x38: {  	s10 =	sld [smem:$0x3FB7]  }
0x39: {  	_ = 	snop;
	(pc) =	sbr.ind lr, $3  }
0x3a: {  	_ = 	snop  }
0x3b: {  	_ = 	snop  }
0x3c: {  	p2 =	seq.s32 s10, $0x1;
	s10 =	sld [smem:$0x3FB6]  }
0x3d: {  	_ =	shalt  }
0x3e: {  	_ =	shalt  }
0x3f: {  	_ =	shalt  }
0x40: {  	_ =	shalt  }
0x41: {  	_ =	shalt  }
0x42: {  	_ =	shalt  }
0x43: {  	_ =	shalt  }
0x44: {  	_ =	shalt  }
0x45: {  	_ =	shalt  }
0x46: {  	_ =	shalt  }
0x47: {  	_ =	shalt  }
0x48: {  	_ =	shalt  }
0x49: {  	_ =	shalt  }
0x4a: {  	_ =	shalt  }
0x4b: {  	_ =	shalt  }
0x4c: {  	_ =	shalt  }
0x4d: {  	_ =	shalt  }
0x4e: {  	_ =	shalt  }
0x4f: {  	_ =	shalt  }
0x50: {  	_ =	shalt  }
0x51: {  	_ =	shalt  }
0x52: {  	_ =	shalt  }
0x53: {  	_ =	shalt  }
0x54: {  	_ =	shalt  }
0x55: {  	_ =	shalt  }
0x56: {  	_ =	shalt  }
0x57: {  	_ =	shalt  }
0x58: {  	_ =	shalt  }
0x59: {  	_ =	shalt  }
0x5a: {  	_ =	shalt  }
0x5b: {  	_ =	shalt  }
0x5c: {  	_ =	shalt  }
0x5d: {  	_ =	shalt  }
0x5e: {  	_ =	shalt  }
0x5f: {  	_ =	shalt  }
0x60: {  	_ =	shalt  }
0x61: {  	_ =	shalt  }
0x62: {  	_ =	shalt  }
0x63: {  	_ =	shalt  }
0x64: {  	_ =	shalt  }
0x65: {  	_ =	shalt  }
0x66: {  	_ =	shalt  }
0x67: {  	_ =	shalt  }
0x68: {  	_ =	shalt  }
0x69: {  	_ =	shalt  }
0x6a: {  	_ =	shalt  }
0x6b: {  	_ =	shalt  }
0x6c: {  	_ =	shalt  }
0x6d: {  	_ =	shalt  }
0x6e: {  	_ =	shalt  }
0x6f: {  	_ =	shalt  }
0x70: {  	_ =	shalt  }
0x71: {  	_ =	shalt  }
0x72: {  	_ =	shalt  }
0x73: {  	_ =	shalt  }
0x74: {  	_ =	shalt  }
0x75: {  	_ =	shalt  }
0x76: {  	_ =	shalt  }
0x77: {  	_ =	shalt  }
0x78: {  	_ =	shalt  }
0x79: {  	_ =	shalt  }
0x7a: {  	_ =	shalt  }
0x7b: {  	_ =	shalt  }
0x7c: {  	_ =	shalt  }
0x7d: {  	_ =	shalt  }
0x7e: {  	_ =	shalt  }
0x7f: {  	_ =	shalt  }
0x80: {  	_ =	shalt  }
0x81: {  	_ =	shalt  }
0x82: {  	_ =	shalt  }
0x83: {  	_ =	shalt  }
0x84: {  	_ =	shalt  }
0x85: {  	_ =	shalt  }
0x86: {  	_ =	shalt  }
0x87: {  	_ =	shalt  }
.Lfunc_end0:
.L_simem_size_0:
called_computation_lowered:
.L_overlay_start_0:
0x88: {  	s2 =	sld [smem:$0x3FD9]  }
0x89: {  	s3 =	sld [smem:$0x3FFE];
	_ =	sdelay $0x1  }
0x8a: {  	s1 =	srdreg.scid  }
0x8b: {  	s0 =	sand.u32 $0x1, s1  }
0x8c: {  	s16 =	sshll.u32 s0, $0xA;
	s2 =	sadd.s32 s3, s2  }
0x8d: {  	s2 =	sadd.s32 s2, s16  }
0x8e: {  	[smem:$0x3FC2] =	sst s2  }
0x8f: {  	_ = 	snop  }
0x90: {  	(tm) =	ssettm $0x1  }
0x91: {  	s17 =	sld [smem:$0x3FFB];
	_ =	sdelay $0x3  }
0x92: {  	_ =	strace s17  }
0x93: {  	s2 =	sld [smem:$0x3FFC];
	_ =	sdelay $0x3  }
0x94: {  	_ =	strace s2  }
0x95: {  	s2 =	sld [smem:$0x3FFD];
	_ =	sdelay $0x3  }
0x96: {  	_ =	strace s2  }
0x97: {  	_ =	strace $0x8FFFFFFF  }
0x98: {  	s18 =	sld [smem:$0x3FDB];
	_ =	sdelay $0x1  }
0x99: {  	s19 =	simm.s32 $_scs_section_size  }
0x9a: {  	s4 =	simm.s32 $_size__tile_overlayer_lowered;
	s5 =	simm.s32 $_tile_overlayer_lowered  }
0x9b: {  	s22 =	simm.s32 $0x1BFF;
	s21 =	sshll.u32 s5, $0x1;
	s2 =	sadd.s32 s19, s18  }
0x9c: {  	s6 =	simm.s32 $0x0;
	s20 =	sshll.u32 s4, $0x1;
	s4 =	sadd.s32 s21, s2  }
0x9d: {  	[timem:s6], [sflag:s22] =	dma.local [hbm:s4], s20  }
0x9e: {  	_ =	swait.ge [sflag:s22], s20  }
0x9f: {  	s3 =	ssub.s32 $0x0, s20;
	[sflag:s22] =	ssyncset.done $0x0  }
0xa0: {  	[sflag:s22] =	ssyncadd.s32 s3;
	_ =	sdelay $0x1  }
0xa1: {  	s23 =	simm.s32 $0x1B8B  }
0xa2: {  	_ =	swait.ge [sflag:s23], $0x1  }
0xa3: {  	[sflag:s23] =	ssyncset.done $0x0  }
0xa4: {  	s25 =	simm.s32 $0x1B8E;
	s24 =	sld [smem:$0x3FFE];
	[sflag:s23] =	ssyncadd.s32 $0xFFFFFFFF  }
0xa5: {  	s26 =	simm.s32 $execute0_lowered;
	[smem:$0x3FD2] =	sst s25  }
0xa6: {  	s4 =	sshll.u32 s26, $0x1;
	_ =	strace $0x80000046;
	[dreg:$0x1] =	wrdreg $0xFFFFFFFF  }
0xa7: {  	s28 =	simm.s32 $_size_execute0_lowered;
	s2 =	sadd.s32 s2, s4;
	[dreg:$0x0] =	wrdreg $0x0  }
0xa8: {  	s4 =	sshll.u32 s28, $0x1;
	[dreg:$0x2] =	wrdreg s2  }
0xa9: {  	[dreg:$0x3] =	wrdreg s4  }
0xaa: {  	[dreg:$0x4] =	wrdreg $0xC0  }
0xab: {  	_ =	task [dreg:s6], $0x5FFFF  }
0xac: {  	[dreg:$0x1] =	wrdreg $0xFFFFFFFF  }
0xad: {  	[dreg:$0x0] =	wrdreg $0x60  }
0xae: {  	[dreg:$0x2] =	wrdreg s24  }
0xaf: {  	[dreg:$0x3] =	wrdreg $0x9  }
0xb0: {  	_ =	task.clear_ibuf [dreg:s6], $0x4FFFF;
	_ =	strace $0x90000046  }
0xb1: {  	s29 =	simm.s32 $0x9;
	_ =	strace $0x80000048  }
0xb2: {  	_ =	swait.ge [sflag:s29], $0x1  }
0xb3: {  	[sflag:s29] =	ssyncadd.s32 $0xFFFFFFFF  }
0xb4: {  	_ =	strace $0x90000048  }
0xb5: {  	_ =	sfence  }
0xb6: {  	s30 =	sld [smem:$0x0];
	_ =	sdelay $0x2  }
0xb7: {  	s31 =	sshll.u32 s1, $0xD;
	s1 =	sshrl.u32 s1, $0x2  }
0xb8: {  	s3 =	sand.u32 $0x4000, s31;
	s1 =	sadd.s32 s1, s30  }
0xb9: {  	s0 =	sor.u32 s3, s0;
	s1 =	sshll.u32 s1, $0x11  }
0xba: {  	s0 =	sor.u32 s1, s0  }
0xbb: {  	s0 =	sadd.s32 $0x8F2B, s0  }
0xbc: {  	[sflag:s0] =	ssyncadd.remote.s32 $0x1  }
0xbd: {  	_ =	sfence.sel $0xFFFF  }
0xbe: {  	[dreg:$0x0] =	wrdreg $0xFFFFFFFF;
	(pc) =	sbr.abs _section_cstart, $3  }
0xbf: {  	[dreg:$0x1] =	wrdreg $0xFFFFFFFF  }
0xc0: {  	_ =	task.clear_ibuf [dreg:s6], $0x2FFFF;
	_ =	strace $0x9FFFFFFF  }
0xc1: {  	(tm) =	ssettm $0x7FFFFFFF  }
tec
execute0_lowered:
.L_overlay_start_1:
0x0: {  	(tag) =	ssettag $0x1  }
0x1: {  	s4 =	rddreg [dreg:$0x0]  }
0x2: {  	s0 =	rddreg [dreg:$0x1];
	s2 =	simm.s32 $0x0;
	s3 =	srdreg.scid  }
0x3: {  	s1 =	stileid.u32;
	s12 =	simm.s32 $0xA00;
	s13 =	simm.s32 $0x500  }
0x4: {  	s14 =	simm.s32 $0xAA00;
	s15 =	simm.s32 $0x780;
	s16 =	simm.s32 $0x1  }
0x5: {  	s17 =	simm.s32 $0x2;
	s18 =	simm.s32 $0x3;
	s19 =	simm.s32 $0x4  }
0x6: {  	s20 =	simm.s32 $0x0;
	[smem:$0x7FF] =	sst s2;
	s5 =	sand.u32 $0x1, s3  }
0x7: {  	s6 =	smul.u32 $0x6400, s1;
	s3 =	sadd.s32 $0xF44E00, s4;
	s9 =	sadd.s32 $0xE800, s4  }
0x8: {  	s8 =	sadd.s32 $0x2000, s4;
	s7 =	smul.u32 $0x3200, s5;
	s5 =	ssub.s32 $0x2, s5  }
0x9: {  	s4 =	sadd.s32 $0x1B000, s4;
	_ =	strace $0x80000047;
	s10 =	sshrl.u32 s5, $0x1  }
0xa: {  	s6 =	sadd.s32 s7, s6;
	s5 =	ssub.s32 s5, s10;
	s10 =	simm.s32 $0x5  }
0xb: {  	s7 =	sadd.s32 $0x280, s6;
	s5 =	smax.u32 s5, $0x1;
	s31 =	sshrl.u32 s6, $0x3  }
0xc: {  	s11 =	sshrl.u32 s7, $0x3;
	s6 =	sadd.s32 s31, s8;
	s7 =	sadd.s32 s31, s9  }
0xd: {  	s8 =	sadd.s32 s11, s8;
	s9 =	sadd.s32 s11, s9;
	s11 =	simm.s32 $0x280  }
.LBB2_1:
0xe: {  	s21 =	sadd.s32 $0x0, s7  }
0xf: {  	[tilespmem:s2], [sflag:$0x5] =	stream.linear.gather [hbm4b:s21+s2], $0x280, $0x38;
	[tilespmem:$0x14A00] =	vst v63  }
0x10: {  	_ =	swait.ge [sflag:s10], $0x280  }
0x11: {  	[sflag:s10] =	ssyncset.done $0x0  }
0x12: {  	[sflag:s10] =	ssyncadd.s32 $0xFFFFFD80  }
0x13: {  	[tilespmem:s12], [sflag:$0x1] =	stream.indirect.gather [hbm4b:s3+s11], $0x40, s2, s11, $0xb8;
	[tilespmem:$0x14A00] =	vst v63  }
0x14: {  	s29 =	sadd.s32 $0x0, s6  }
0x15: {  	[tilespmem:s13], [sflag:$0x5] =	stream.linear.gather [hbm4b:s29+s2], $0x280, $0x38;
	[tilespmem:$0x14A00] =	vst v63  }
0x16: {  	_ =	swait.ge [sflag:s10], $0x280  }
0x17: {  	[sflag:s10] =	ssyncset.done $0x0  }
0x18: {  	s30 =	sadd.s32 $0x0, s9;
	[sflag:s10] =	ssyncadd.s32 $0xFFFFFD80  }
0x19: {  	[tilespmem:s11], [sflag:$0x5] =	stream.linear.gather [hbm4b:s30+s2], $0x280, $0x38;
	[tilespmem:$0x14A00] =	vst v63  }
0x1a: {  	_ =	swait.ge [sflag:s10], $0x280  }
0x1b: {  	[sflag:s10] =	ssyncset.done $0x0  }
0x1c: {  	[sflag:s10] =	ssyncadd.s32 $0xFFFFFD80  }
0x1d: {  	[tilespmem:s14], [sflag:$0x2] =	stream.indirect.gather [hbm4b:s3+s11], $0x40, s11, s11, $0xb8;
	[tilespmem:$0x14A00] =	vst v63  }
0x1e: {  	s31 =	sadd.s32 $0x0, s8  }
0x1f: {  	[tilespmem:s15], [sflag:$0x5] =	stream.linear.gather [hbm4b:s31+s2], $0x280, $0x38;
	[tilespmem:$0x14A00] =	vst v63  }
0x20: {  	_ =	swait.ge [sflag:s10], $0x280  }
0x21: {  	[sflag:s10] =	ssyncset.done $0x0  }
0x22: {  	[sflag:s10] =	ssyncadd.s32 $0xFFFFFD80  }
0x23: {  	_ =	swait.ge [sflag:s16], $0xA000  }
0x24: {  	[sflag:s16] =	ssyncset.done $0x0  }
0x25: {  	[sflag:s16] =	ssyncadd.s32 $0xFFFF6000  }
0x26: {  	[hbm4b:s4+s11] =	stream.indirect.scatter [tilespmem:s12], [sflag:$0x3], $0x40, s13, s11, $0xb8;
	[tilespmem:$0x14A00] =	vst v63  }
0x27: {  	_ =	swait.ge [sflag:s17], $0xA000  }
0x28: {  	[sflag:s17] =	ssyncset.done $0x0  }
0x29: {  	[sflag:s17] =	ssyncadd.s32 $0xFFFF6000  }
0x2a: {  	[hbm4b:s4+s11] =	stream.indirect.scatter [tilespmem:s14], [sflag:$0x4], $0x40, s15, s11, $0xb8;
	[tilespmem:$0x14A00] =	vst v63  }
0x2b: {  	_ =	swait.ge [sflag:s18], $0xA000  }
0x2c: {  	[sflag:s18] =	ssyncset.done $0x0  }
0x2d: {  	[sflag:s18] =	ssyncadd.s32 $0xFFFF6000  }
0x2e: {  	_ =	swait.ge [sflag:s19], $0xA000  }
0x2f: {  	s23 =	simm.s32 $0x140;
	s21 =	simm.s32 $0xA0;
	[sflag:s19] =	ssyncset.done $0x0  }
.LBB2_2:
0x30: {  	s24 =	sadd.s32 s21, s7  }
0x31: {  	[sflag:s19] =	ssyncadd.s32 $0xFFFF6000;
	s25 =	smov.u32 s23;
	s22 =	sadd.s32 $0xA0, s23  }
0x32: {  	[tilespmem:s2], [sflag:$0x5] =	stream.linear.gather [hbm4b:s24+s2], $0x280, $0x38;
	[tilespmem:$0x14A00] =	vst v63  }
0x33: {  	p0 =	sne.s32 s23, $0x5A0;
	_ =	swait.ge [sflag:s10], $0x280  }
0x34: {  	[sflag:s10] =	ssyncset.done $0x0  }
0x35: {  	[sflag:s10] =	ssyncadd.s32 $0xFFFFFD80  }
0x36: {  	[tilespmem:s12], [sflag:$0x1] =	stream.indirect.gather [hbm4b:s3+s11], $0x40, s2, s11, $0xb8;
	[tilespmem:$0x14A00] =	vst v63  }
0x37: {  	s23 =	sadd.s32 s21, s6  }
0x38: {  	[tilespmem:s13], [sflag:$0x5] =	stream.linear.gather [hbm4b:s23+s2], $0x280, $0x38;
	[tilespmem:$0x14A00] =	vst v63  }
0x39: {  	_ =	swait.ge [sflag:s10], $0x280  }
0x3a: {  	[sflag:s10] =	ssyncset.done $0x0  }
0x3b: {  	s23 =	sadd.s32 s21, s9;
	[sflag:s10] =	ssyncadd.s32 $0xFFFFFD80  }
0x3c: {  	[tilespmem:s11], [sflag:$0x5] =	stream.linear.gather [hbm4b:s23+s2], $0x280, $0x38;
	[tilespmem:$0x14A00] =	vst v63  }
0x3d: {  	_ =	swait.ge [sflag:s10], $0x280  }
0x3e: {  	[sflag:s10] =	ssyncset.done $0x0  }
0x3f: {  	[sflag:s10] =	ssyncadd.s32 $0xFFFFFD80  }
0x40: {  	[tilespmem:s14], [sflag:$0x2] =	stream.indirect.gather [hbm4b:s3+s11], $0x40, s11, s11, $0xb8;
	[tilespmem:$0x14A00] =	vst v63  }
0x41: {  	s23 =	sadd.s32 s21, s8;
	s21 =	smov.u32 s25  }
0x42: {  	[tilespmem:s15], [sflag:$0x5] =	stream.linear.gather [hbm4b:s23+s2], $0x280, $0x38;
	[tilespmem:$0x14A00] =	vst v63  }
0x43: {  	_ =	swait.ge [sflag:s10], $0x280  }
0x44: {  	[sflag:s10] =	ssyncset.done $0x0  }
0x45: {  	[sflag:s10] =	ssyncadd.s32 $0xFFFFFD80  }
0x46: {  	_ =	swait.ge [sflag:s16], $0xA000  }
0x47: {  	[sflag:s16] =	ssyncset.done $0x0  }
0x48: {  	[sflag:s16] =	ssyncadd.s32 $0xFFFF6000  }
0x49: {  	[hbm4b:s4+s11] =	stream.indirect.scatter [tilespmem:s12], [sflag:$0x3], $0x40, s13, s11, $0xb8;
	[tilespmem:$0x14A00] =	vst v63  }
0x4a: {  	_ =	swait.ge [sflag:s17], $0xA000  }
0x4b: {  	[sflag:s17] =	ssyncset.done $0x0  }
0x4c: {  	[sflag:s17] =	ssyncadd.s32 $0xFFFF6000  }
0x4d: {  	[hbm4b:s4+s11] =	stream.indirect.scatter [tilespmem:s14], [sflag:$0x4], $0x40, s15, s11, $0xb8;
	[tilespmem:$0x14A00] =	vst v63  }
.Ltmp0:
0x4e: {  	_ =	swait.ge [sflag:s18], $0xA000;
	(pc) =	sbr.rel @p0 .LBB2_2-.Ltmp0, $4  }
0x4f: {  	[sflag:s18] =	ssyncset.done $0x0  }
0x50: {  	[sflag:s18] =	ssyncadd.s32 $0xFFFF6000  }
0x51: {  	_ =	swait.ge [sflag:s19], $0xA000  }
0x52: {  	s23 =	smov.u32 s22;
	[sflag:s19] =	ssyncset.done $0x0  }
0x53: {  	s22 =	sadd.s32 s21, s7;
	[sflag:s19] =	ssyncadd.s32 $0xFFFF6000  }
0x54: {  	[tilespmem:s2], [sflag:$0x5] =	stream.linear.gather [hbm4b:s22+s2], $0x280, $0x38;
	[tilespmem:$0x14A00] =	vst v63  }
0x55: {  	_ =	swait.ge [sflag:s10], $0x280  }
0x56: {  	[sflag:s10] =	ssyncset.done $0x0  }
0x57: {  	[sflag:s10] =	ssyncadd.s32 $0xFFFFFD80  }
0x58: {  	[tilespmem:s12], [sflag:$0x1] =	stream.indirect.gather [hbm4b:s3+s11], $0x40, s2, s11, $0xb8;
	[tilespmem:$0x14A00] =	vst v63  }
0x59: {  	s29 =	sadd.s32 s21, s6  }
0x5a: {  	[tilespmem:s13], [sflag:$0x5] =	stream.linear.gather [hbm4b:s29+s2], $0x280, $0x38;
	[tilespmem:$0x14A00] =	vst v63  }
0x5b: {  	_ =	swait.ge [sflag:s10], $0x280  }
0x5c: {  	[sflag:s10] =	ssyncset.done $0x0  }
0x5d: {  	s30 =	sadd.s32 s21, s9;
	[sflag:s10] =	ssyncadd.s32 $0xFFFFFD80  }
0x5e: {  	[tilespmem:s11], [sflag:$0x5] =	stream.linear.gather [hbm4b:s30+s2], $0x280, $0x38;
	[tilespmem:$0x14A00] =	vst v63  }
0x5f: {  	_ =	swait.ge [sflag:s10], $0x280  }
0x60: {  	[sflag:s10] =	ssyncset.done $0x0  }
0x61: {  	[sflag:s10] =	ssyncadd.s32 $0xFFFFFD80  }
0x62: {  	[tilespmem:s14], [sflag:$0x2] =	stream.indirect.gather [hbm4b:s3+s11], $0x40, s11, s11, $0xb8;
	[tilespmem:$0x14A00] =	vst v63  }
0x63: {  	s31 =	sadd.s32 s21, s8  }
0x64: {  	[tilespmem:s15], [sflag:$0x5] =	stream.linear.gather [hbm4b:s31+s2], $0x280, $0x38;
	[tilespmem:$0x14A00] =	vst v63  }
0x65: {  	_ =	swait.ge [sflag:s10], $0x280  }
0x66: {  	[sflag:s10] =	ssyncset.done $0x0  }
0x67: {  	[sflag:s10] =	ssyncadd.s32 $0xFFFFFD80  }
0x68: {  	_ =	swait.ge [sflag:s16], $0xA000  }
0x69: {  	[sflag:s16] =	ssyncset.done $0x0  }
0x6a: {  	[sflag:s16] =	ssyncadd.s32 $0xFFFF6000  }
0x6b: {  	[hbm4b:s4+s11] =	stream.indirect.scatter [tilespmem:s12], [sflag:$0x3], $0x40, s13, s11, $0xb8;
	[tilespmem:$0x14A00] =	vst v63  }
0x6c: {  	_ =	swait.ge [sflag:s17], $0xA000  }
0x6d: {  	[sflag:s17] =	ssyncset.done $0x0  }
0x6e: {  	s20 =	sadd.s32 $0x1, s20;
	[sflag:s17] =	ssyncadd.s32 $0xFFFF6000  }
0x6f: {  	[hbm4b:s4+s11] =	stream.indirect.scatter [tilespmem:s14], [sflag:$0x4], $0x40, s15, s11, $0xb8;
	[tilespmem:$0x14A00] =	vst v63  }
0x70: {  	p0 =	sne.s32 s20, s5;
	_ =	swait.ge [sflag:s18], $0xA000  }
.Ltmp1:
0x71: {  	[sflag:s18] =	ssyncset.done $0x0;
	(pc) =	sbr.rel @p0 .LBB2_1-.Ltmp1, $4  }
0x72: {  	[sflag:s18] =	ssyncadd.s32 $0xFFFF6000  }
0x73: {  	_ =	swait.ge [sflag:s19], $0xA000  }
0x74: {  	[sflag:s19] =	ssyncset.done $0x0  }
0x75: {  	[sflag:s19] =	ssyncadd.s32 $0xFFFF6000  }
0x76: {  	_ =	sfence.sel $0x180000  }
0x77: {  	[bflag:$0x0] =	sbarrier.arrive $0xFFFF  }
0x78: {  	p0 =	sne.s32 s1, $0x0;
	_ =	strace $0x90000047  }
0x79: {  	s0 =	sadd.s32 @!p0 $0x100000, s0;
	[bflag:$0x2] =	sbarrier.arrive $0xFFFF  }
0x7a: {  	[sflag:s0] =	ssyncadd.tile.s32 @!p0 $0x1;
	_ =	shalt  }
.Lfunc_end2:
_tile_overlayer_lowered:
.L_overlay_start_2:
0x7b: {  	(tag) =	ssettag $0x2  }
0x7c: {  	s0 =	rddreg [dreg:$0x0];
	s2 =	stileid.u32  }
0x7d: {  	s1 =	rddreg [dreg:$0x1];
	p0 =	sne.s32 s2, $0x0  }
0x7e: {  	s3 =	rddreg [dreg:$0x2];
	[bflag:$0x3] =	sbarrier.arrive $0xFFFF;
	s2 =	simm.s32 @!p0 $0x1C05  }
0x7f: {  	[timem:s3], [sflag:s2] =	dma.local @!p0 [hbm:s0], s1  }
0x80: {  	s0 =	simm.s32 @!p0 $0x5  }
0x81: {  	_ =	swait.ge @!p0 [sflag:s0], s1  }
0x82: {  	s1 =	ssub.s32 @!p0 $0x0, s1;
	[sflag:s0] =	ssyncset.done @!p0 $0x0  }
0x83: {  	[sflag:s0] =	ssyncadd.s32 @!p0 s1  }
0x84: {  	[bflag:$0x3] =	sbarrier.arrive $0xFFFF  }
0x85: {  	_ =	shalt  }

// kernel: kernel.9.cloned.1.call-start
scs
__scs_entry_jumppad:
0x0: {  	(pc) =	sbr.rel $0x88, $3  }
0x1: {  	(tag) =	ssettag $0x0;
	lr =	simm.s32 $0x1  }
0x2: {  	[smem:$0x3F9B] =	sst lr;
	_ =	strace $0xD0000000  }
0x3: {  	_ = 	snop  }
0x4: {  	_ = 	snop  }
0x5: {  	_ = 	snop  }
0x6: {  	_ = 	snop  }
0x7: {  	_ = 	snop  }
__scs_overlays_trampoline_lowered:
0x8: {  	[smem:$0x3FAA] =	sst s0  }
0x9: {  	[smem:$0x3FAB] =	sst s1  }
0xa: {  	[smem:$0x3FAC] =	sst s2  }
0xb: {  	[smem:$0x3FAD] =	sst s3  }
0xc: {  	[smem:$0x3FAE] =	sst s4  }
0xd: {  	[smem:$0x3FAF] =	sst s5  }
0xe: {  	[smem:$0x3FB0] =	sst s6  }
0xf: {  	[smem:$0x3FB1] =	sst s7  }
0x10: {  	[smem:$0x3FB2] =	sst s8  }
0x11: {  	[smem:$0x3FB3] =	sst s9;
	s0 =	simm.s32 @!p0 $0x0  }
0x12: {  	s1 =	sld [smem:$0x3F99];
	s0 =	simm.s32 @p0 $0x1  }
0x13: {  	[smem:$0x3FB4] =	sst s0;
	s0 =	simm.s32 @!p1 $0x0  }
0x14: {  	s2 =	sld [smem:$0x3F98];
	s0 =	simm.s32 @p1 $0x1  }
0x15: {  	[smem:$0x3FB5] =	sst s0;
	s0 =	simm.s32 @!p2 $0x0  }
0x16: {  	s3 =	sld [smem:$0x3FDB];
	s0 =	simm.s32 @p2 $0x1  }
0x17: {  	s4 =	simm.s32 $0x1BF5;
	[smem:$0x3FB7] =	sst s0  }
0x18: {  	s0 =	sld [smem:$0x3F9A];
	_ =	swait.ge [sflag:s4], $0x0  }
0x19: {  	s7 =	sld [smem:$0x3F9B]  }
0x1a: {  	s8 =	sadd.s32 $0xFFFFE003, lr  }
0x1b: {  	s9 =	sadd.s32 $0xFFFFFEF7, lr;
	s5 =	simm.s32 $0xFFFFFFFF;
	p2 =	slt.u32 s8, $0xFFFFF086  }
0x1c: {  	p1 =	slt.u32 s9, $0xF7A;
	s5 =	simm.s32 @!p2 $0x0  }
0x1d: {  	s5 =	simm.s32 @p1 $0x1;
	p0 =	seq.s32 s7, s2  }
0x1e: {  	s7 =	smul.u32 @!p0 $0xF7A, s2;
	p2 =	seq.s32 @!p0 s5, $0x0  }
0x1f: {  	s9 =	smul.u32 $0xF7A, s1;
	s8 =	simm.s32 @!p0 $0x1BF5;
	p2 =	por !p2, p0  }
0x20: {  	[sflag:s8] =	ssyncset.s32 @!p0 $0xFFFFF086;
	s6 =	sadd.s32 @!p0 s3, s7;
	s7 =	simm.s32 @!p0 $0x108  }
0x21: {  	s3 =	sadd.s32 s3, s9;
	s6 =	sadd.s32 @!p0 $0x88, s6;
	s7 =	simm.s32 @p2 $0x1082  }
0x22: {  	[simem:s7], [sflag:s8] =	dma.local @!p0 [hbm:s6], $0xF7A  }
0x23: {  	s9 =	sor.u32 $0xD0000000, s2;
	s6 =	simm.s32 $0x108;
	_ =	swait.ge @!p0 [sflag:s8], $0x0  }
0x24: {  	s3 =	sadd.s32 $0x88, s3;
	s6 =	simm.s32 @!p1 $0x1082;
	[sflag:s4] =	ssyncset.s32 $0xFFFFF086  }
0x25: {  	[simem:s6], [sflag:s4] =	dma.local [hbm:s3], $0xF7A  }
0x26: {  	[smem:$0x3F9B] =	sst s1;
	(tag) =	ssettag s2;
	_ =	strace s9  }
0x27: {  	s1 =	sld [smem:$0x3FAB]  }
0x28: {  	s2 =	sld [smem:$0x3FAC]  }
0x29: {  	s4 =	sld [smem:$0x3FAE]  }
0x2a: {  	p0 =	seq.s32 s5, $0x0;
	s5 =	sld [smem:$0x3FAF]  }
0x2b: {  	s6 =	sld [smem:$0x3FB0]  }
0x2c: {  	s7 =	sld [smem:$0x3FB1]  }
0x2d: {  	s3 =	simm.s32 $0x108;
	s8 =	sld [smem:$0x3FB2]  }
0x2e: {  	s3 =	simm.s32 @!p0 $0x1082;
	s9 =	sld [smem:$0x3FB3]  }
0x2f: {  	lr =	sadd.s32 s0, s3;
	s0 =	sld [smem:$0x3FAA]  }
0x30: {  	s3 =	sld [smem:$0x3FAD]  }
0x31: {  	[smem:$0x3FB6] =	sst s10  }
0x32: {  	s10 =	sld [smem:$0x3FB4];
	_ =	sdelay $0x3  }
0x33: {  	p0 =	seq.s32 s10, $0x1;
	s10 =	sld [smem:$0x3FB6];
	_ =	sdelay $0x3  }
0x34: {  	[smem:$0x3FB6] =	sst s10  }
0x35: {  	s10 =	sld [smem:$0x3FB5];
	_ =	sdelay $0x3  }
0x36: {  	p1 =	seq.s32 s10, $0x1;
	s10 =	sld [smem:$0x3FB6];
	_ =	sdelay $0x3  }
0x37: {  	[smem:$0x3FB6] =	sst s10  }
0x38: {  	s10 =	sld [smem:$0x3FB7]  }
0x39: {  	_ = 	snop;
	(pc) =	sbr.ind lr, $3  }
0x3a: {  	_ = 	snop  }
0x3b: {  	_ = 	snop  }
0x3c: {  	p2 =	seq.s32 s10, $0x1;
	s10 =	sld [smem:$0x3FB6]  }
0x3d: {  	_ =	shalt  }
0x3e: {  	_ =	shalt  }
0x3f: {  	_ =	shalt  }
0x40: {  	_ =	shalt  }
0x41: {  	_ =	shalt  }
0x42: {  	_ =	shalt  }
0x43: {  	_ =	shalt  }
0x44: {  	_ =	shalt  }
0x45: {  	_ =	shalt  }
0x46: {  	_ =	shalt  }
0x47: {  	_ =	shalt  }
0x48: {  	_ =	shalt  }
0x49: {  	_ =	shalt  }
0x4a: {  	_ =	shalt  }
0x4b: {  	_ =	shalt  }
0x4c: {  	_ =	shalt  }
0x4d: {  	_ =	shalt  }
0x4e: {  	_ =	shalt  }
0x4f: {  	_ =	shalt  }
0x50: {  	_ =	shalt  }
0x51: {  	_ =	shalt  }
0x52: {  	_ =	shalt  }
0x53: {  	_ =	shalt  }
0x54: {  	_ =	shalt  }
0x55: {  	_ =	shalt  }
0x56: {  	_ =	shalt  }
0x57: {  	_ =	shalt  }
0x58: {  	_ =	shalt  }
0x59: {  	_ =	shalt  }
0x5a: {  	_ =	shalt  }
0x5b: {  	_ =	shalt  }
0x5c: {  	_ =	shalt  }
0x5d: {  	_ =	shalt  }
0x5e: {  	_ =	shalt  }
0x5f: {  	_ =	shalt  }
0x60: {  	_ =	shalt  }
0x61: {  	_ =	shalt  }
0x62: {  	_ =	shalt  }
0x63: {  	_ =	shalt  }
0x64: {  	_ =	shalt  }
0x65: {  	_ =	shalt  }
0x66: {  	_ =	shalt  }
0x67: {  	_ =	shalt  }
0x68: {  	_ =	shalt  }
0x69: {  	_ =	shalt  }
0x6a: {  	_ =	shalt  }
0x6b: {  	_ =	shalt  }
0x6c: {  	_ =	shalt  }
0x6d: {  	_ =	shalt  }
0x6e: {  	_ =	shalt  }
0x6f: {  	_ =	shalt  }
0x70: {  	_ =	shalt  }
0x71: {  	_ =	shalt  }
0x72: {  	_ =	shalt  }
0x73: {  	_ =	shalt  }
0x74: {  	_ =	shalt  }
0x75: {  	_ =	shalt  }
0x76: {  	_ =	shalt  }
0x77: {  	_ =	shalt  }
0x78: {  	_ =	shalt  }
0x79: {  	_ =	shalt  }
0x7a: {  	_ =	shalt  }
0x7b: {  	_ =	shalt  }
0x7c: {  	_ =	shalt  }
0x7d: {  	_ =	shalt  }
0x7e: {  	_ =	shalt  }
0x7f: {  	_ =	shalt  }
0x80: {  	_ =	shalt  }
0x81: {  	_ =	shalt  }
0x82: {  	_ =	shalt  }
0x83: {  	_ =	shalt  }
0x84: {  	_ =	shalt  }
0x85: {  	_ =	shalt  }
0x86: {  	_ =	shalt  }
0x87: {  	_ =	shalt  }
.Lfunc_end0:
.L_simem_size_0:
called_computation.1_lowered:
.L_overlay_start_0:
0x88: {  	s2 =	sld [smem:$0x3FD9]  }
0x89: {  	s3 =	sld [smem:$0x3FFE];
	_ =	sdelay $0x1  }
0x8a: {  	s1 =	srdreg.scid  }
0x8b: {  	s0 =	sand.u32 $0x1, s1  }
0x8c: {  	s17 =	sshll.u32 s0, $0xA;
	s2 =	sadd.s32 s3, s2  }
0x8d: {  	s2 =	sadd.s32 s2, s17  }
0x8e: {  	[smem:$0x3FC2] =	sst s2  }
0x8f: {  	_ = 	snop  }
0x90: {  	(tm) =	ssettm $0x1  }
0x91: {  	s18 =	sld [smem:$0x3FFB];
	_ =	sdelay $0x3  }
0x92: {  	_ =	strace s18  }
0x93: {  	s2 =	sld [smem:$0x3FFC];
	_ =	sdelay $0x3  }
0x94: {  	_ =	strace s2  }
0x95: {  	s2 =	sld [smem:$0x3FFD];
	_ =	sdelay $0x3  }
0x96: {  	_ =	strace s2  }
0x97: {  	_ =	strace $0x8FFFFFFF  }
0x98: {  	s19 =	sld [smem:$0x3FDB];
	_ =	sdelay $0x1  }
0x99: {  	s20 =	simm.s32 $_scs_section_size  }
0x9a: {  	s4 =	simm.s32 $_size__tile_overlayer_lowered;
	s5 =	simm.s32 $_tile_overlayer_lowered  }
0x9b: {  	s6 =	simm.s32 $0x1BFF;
	s21 =	sshll.u32 s5, $0x1;
	s3 =	sadd.s32 s20, s19  }
0x9c: {  	s22 =	simm.s32 $0x0;
	s4 =	sshll.u32 s4, $0x1;
	s5 =	sadd.s32 s21, s3  }
0x9d: {  	[timem:s22], [sflag:s6] =	dma.local [hbm:s5], s4  }
0x9e: {  	_ =	swait.ge [sflag:s6], s4  }
0x9f: {  	s4 =	ssub.s32 $0x0, s4;
	[sflag:s6] =	ssyncset.done $0x0  }
0xa0: {  	[sflag:s6] =	ssyncadd.s32 s4;
	_ =	sdelay $0x1  }
0xa1: {  	s23 =	simm.s32 $0x1B8B  }
0xa2: {  	_ =	swait.ge [sflag:s23], $0x1  }
0xa3: {  	[sflag:s23] =	ssyncset.done $0x0  }
0xa4: {  	[sflag:s23] =	ssyncadd.s32 $0xFFFFFFFF  }
0xa5: {  	s4 =	sld [smem:$0x0]  }
0xa6: {  	s5 =	sand.u32 $0xFFFFFFFE, s1  }
0xa7: {  	p0 =	sne.s32 s1, s5  }
0xa8: {  	s5 =	sshll.u32 @p0 s5, $0xE  }
0xa9: {  	s5 =	sadd.s32 @p0 $0x11B8D, s5;
	s6 =	sshll.u32 @p0 s4, $0x11  }
0xaa: {  	s5 =	sor.u32 @p0 s6, s5  }
0xab: {  	[sflag:s5] =	ssyncadd.remote.s32 @p0 $0x1;
	_ =	sdelay $0x1  }
0xac: {  	s5 =	simm.s32 @p0 $0x1B8D  }
0xad: {  	_ =	swait.eq @p0 [sflag:s5], $0x1  }
0xae: {  	[sflag:s5] =	ssyncadd.s32 @p0 $0xFFFFFFFF  }
0xaf: {  	s6 =	sshll.u32 @!p0 s1, $0xE  }
0xb0: {  	s6 =	sor.u32 @!p0 $0x4000, s6;
	s5 =	simm.s32 @!p0 $0x1B8D  }
0xb1: {  	s4 =	sshll.u32 @!p0 s4, $0x11;
	s6 =	sadd.s32 @!p0 $0x11B8D, s6;
	_ =	swait.eq @!p0 [sflag:s5], $0x1  }
0xb2: {  	s4 =	sor.u32 @!p0 s4, s6;
	[sflag:s5] =	ssyncadd.s32 @!p0 $0xFFFFFFFF  }
0xb3: {  	s25 =	simm.s32 $0x1B8E;
	s24 =	sld [smem:$0x3FFE];
	[sflag:s4] =	ssyncadd.remote.s32 @!p0 $0x1  }
0xb4: {  	s26 =	simm.s32 $execute0_lowered;
	[smem:$0x3FD2] =	sst s25  }
0xb5: {  	s5 =	sshll.u32 s26, $0x1;
	_ =	strace $0x80000049;
	[dreg:$0x1] =	wrdreg $0xFFFFFFFF  }
0xb6: {  	s28 =	simm.s32 $_size_execute0_lowered;
	s3 =	sadd.s32 s3, s5;
	[dreg:$0x0] =	wrdreg $0x0  }
0xb7: {  	s5 =	sshll.u32 s28, $0x1;
	[dreg:$0x2] =	wrdreg s3  }
0xb8: {  	[dreg:$0x3] =	wrdreg s5  }
0xb9: {  	[dreg:$0x4] =	wrdreg $0xC0  }
0xba: {  	_ =	task [dreg:s22], $0x5FFFF  }
0xbb: {  	[dreg:$0x1] =	wrdreg $0xFFFFFFFF  }
0xbc: {  	[dreg:$0x0] =	wrdreg $0x60  }
0xbd: {  	[dreg:$0x2] =	wrdreg s24  }
0xbe: {  	[dreg:$0x3] =	wrdreg $0xA  }
0xbf: {  	_ =	task.clear_ibuf [dreg:s22], $0x4FFFF;
	_ =	strace $0x90000049  }
0xc0: {  	s29 =	simm.s32 $0xA;
	_ =	strace $0x8000004B  }
0xc1: {  	_ =	swait.ge [sflag:s29], $0x1  }
0xc2: {  	[sflag:s29] =	ssyncadd.s32 $0xFFFFFFFF  }
0xc3: {  	_ =	strace $0x9000004B  }
0xc4: {  	_ =	sfence  }
0xc5: {  	s30 =	sld [smem:$0x0];
	_ =	sdelay $0x2  }
0xc6: {  	s31 =	sshll.u32 s1, $0xD;
	s1 =	sshrl.u32 s1, $0x2  }
0xc7: {  	s4 =	sand.u32 $0x4000, s31;
	s1 =	sadd.s32 s1, s30  }
0xc8: {  	s0 =	sor.u32 s4, s0;
	s1 =	sshll.u32 s1, $0x11  }
0xc9: {  	s0 =	sor.u32 s1, s0  }
0xca: {  	s0 =	sadd.s32 $0x8F2B, s0  }
0xcb: {  	[sflag:s0] =	ssyncadd.remote.s32 $0x1  }
0xcc: {  	_ =	sfence.sel $0xFFFF  }
0xcd: {  	[dreg:$0x0] =	wrdreg $0xFFFFFFFF;
	(pc) =	sbr.abs _section_cstart, $3  }
0xce: {  	[dreg:$0x1] =	wrdreg $0xFFFFFFFF  }
0xcf: {  	_ =	task.clear_ibuf [dreg:s22], $0x2FFFF;
	_ =	strace $0x9FFFFFFF  }
0xd0: {  	(tm) =	ssettm $0x7FFFFFFF  }
0xd1: {  	_ =	shalt  }
tec
execute0_lowered:
.L_overlay_start_1:
0x0: {  	(tag) =	ssettag $0x1  }
0x1: {  	s4 =	rddreg [dreg:$0x0]  }
0x2: {  	s0 =	rddreg [dreg:$0x1];
	s2 =	simm.s32 $0x0;
	s3 =	srdreg.scid  }
0x3: {  	s1 =	stileid.u32;
	s12 =	simm.s32 $0xA00;
	s13 =	simm.s32 $0x500  }
0x4: {  	s14 =	simm.s32 $0xAA00;
	s15 =	simm.s32 $0x780;
	s16 =	simm.s32 $0x1  }
0x5: {  	s17 =	simm.s32 $0x2;
	s18 =	simm.s32 $0x3;
	s19 =	simm.s32 $0x4  }
0x6: {  	s20 =	simm.s32 $0x0;
	[smem:$0x7FF] =	sst s2;
	s5 =	sand.u32 $0x1, s3  }
0x7: {  	s6 =	smul.u32 $0x6400, s1;
	s3 =	sadd.s32 $0xF44E00, s4;
	s9 =	sadd.s32 $0x33B000, s4  }
0x8: {  	s8 =	sadd.s32 $0x2000, s4;
	s7 =	smul.u32 $0x3200, s5;
	s5 =	ssub.s32 $0x2, s5  }
0x9: {  	s4 =	sadd.s32 $0x347800, s4;
	_ =	strace $0x8000004A;
	s10 =	sshrl.u32 s5, $0x1  }
0xa: {  	s6 =	sadd.s32 s7, s6;
	s5 =	ssub.s32 s5, s10;
	s10 =	simm.s32 $0x5  }
0xb: {  	s7 =	sadd.s32 $0x280, s6;
	s5 =	smax.u32 s5, $0x1;
	s31 =	sshrl.u32 s6, $0x3  }
0xc: {  	s11 =	sshrl.u32 s7, $0x3;
	s6 =	sadd.s32 s31, s8;
	s7 =	sadd.s32 s31, s9  }
0xd: {  	s8 =	sadd.s32 s11, s8;
	s9 =	sadd.s32 s11, s9;
	s11 =	simm.s32 $0x280  }
.LBB2_1:
0xe: {  	s21 =	sadd.s32 $0x0, s7  }
0xf: {  	[tilespmem:s2], [sflag:$0x5] =	stream.linear.gather [hbm4b:s21+s2], $0x280, $0x38;
	[tilespmem:$0x14A00] =	vst v63  }
0x10: {  	_ =	swait.ge [sflag:s10], $0x280  }
0x11: {  	[sflag:s10] =	ssyncset.done $0x0  }
0x12: {  	[sflag:s10] =	ssyncadd.s32 $0xFFFFFD80  }
0x13: {  	[tilespmem:s12], [sflag:$0x1] =	stream.indirect.gather [hbm4b:s3+s11], $0x40, s2, s11, $0xb8;
	[tilespmem:$0x14A00] =	vst v63  }
0x14: {  	s29 =	sadd.s32 $0x0, s6  }
0x15: {  	[tilespmem:s13], [sflag:$0x5] =	stream.linear.gather [hbm4b:s29+s2], $0x280, $0x38;
	[tilespmem:$0x14A00] =	vst v63  }
0x16: {  	_ =	swait.ge [sflag:s10], $0x280  }
0x17: {  	[sflag:s10] =	ssyncset.done $0x0  }
0x18: {  	s30 =	sadd.s32 $0x0, s9;
	[sflag:s10] =	ssyncadd.s32 $0xFFFFFD80  }
0x19: {  	[tilespmem:s11], [sflag:$0x5] =	stream.linear.gather [hbm4b:s30+s2], $0x280, $0x38;
	[tilespmem:$0x14A00] =	vst v63  }
0x1a: {  	_ =	swait.ge [sflag:s10], $0x280  }
0x1b: {  	[sflag:s10] =	ssyncset.done $0x0  }
0x1c: {  	[sflag:s10] =	ssyncadd.s32 $0xFFFFFD80  }
0x1d: {  	[tilespmem:s14], [sflag:$0x2] =	stream.indirect.gather [hbm4b:s3+s11], $0x40, s11, s11, $0xb8;
	[tilespmem:$0x14A00] =	vst v63  }
0x1e: {  	s31 =	sadd.s32 $0x0, s8  }
0x1f: {  	[tilespmem:s15], [sflag:$0x5] =	stream.linear.gather [hbm4b:s31+s2], $0x280, $0x38;
	[tilespmem:$0x14A00] =	vst v63  }
0x20: {  	_ =	swait.ge [sflag:s10], $0x280  }
0x21: {  	[sflag:s10] =	ssyncset.done $0x0  }
0x22: {  	[sflag:s10] =	ssyncadd.s32 $0xFFFFFD80  }
0x23: {  	_ =	swait.ge [sflag:s16], $0xA000  }
0x24: {  	[sflag:s16] =	ssyncset.done $0x0  }
0x25: {  	[sflag:s16] =	ssyncadd.s32 $0xFFFF6000  }
0x26: {  	[hbm4b:s4+s11] =	stream.indirect.scatter [tilespmem:s12], [sflag:$0x3], $0x40, s13, s11, $0xb8;
	[tilespmem:$0x14A00] =	vst v63  }
0x27: {  	_ =	swait.ge [sflag:s17], $0xA000  }
0x28: {  	[sflag:s17] =	ssyncset.done $0x0  }
0x29: {  	[sflag:s17] =	ssyncadd.s32 $0xFFFF6000  }
0x2a: {  	[hbm4b:s4+s11] =	stream.indirect.scatter [tilespmem:s14], [sflag:$0x4], $0x40, s15, s11, $0xb8;
	[tilespmem:$0x14A00] =	vst v63  }
0x2b: {  	_ =	swait.ge [sflag:s18], $0xA000  }
0x2c: {  	[sflag:s18] =	ssyncset.done $0x0  }
0x2d: {  	[sflag:s18] =	ssyncadd.s32 $0xFFFF6000  }
0x2e: {  	_ =	swait.ge [sflag:s19], $0xA000  }
0x2f: {  	s23 =	simm.s32 $0x140;
	s21 =	simm.s32 $0xA0;
	[sflag:s19] =	ssyncset.done $0x0  }
.LBB2_2:
0x30: {  	s24 =	sadd.s32 s21, s7  }
0x31: {  	[sflag:s19] =	ssyncadd.s32 $0xFFFF6000;
	s25 =	smov.u32 s23;
	s22 =	sadd.s32 $0xA0, s23  }
0x32: {  	[tilespmem:s2], [sflag:$0x5] =	stream.linear.gather [hbm4b:s24+s2], $0x280, $0x38;
	[tilespmem:$0x14A00] =	vst v63  }
0x33: {  	p0 =	sne.s32 s23, $0x5A0;
	_ =	swait.ge [sflag:s10], $0x280  }
0x34: {  	[sflag:s10] =	ssyncset.done $0x0  }
0x35: {  	[sflag:s10] =	ssyncadd.s32 $0xFFFFFD80  }
0x36: {  	[tilespmem:s12], [sflag:$0x1] =	stream.indirect.gather [hbm4b:s3+s11], $0x40, s2, s11, $0xb8;
	[tilespmem:$0x14A00] =	vst v63  }
0x37: {  	s23 =	sadd.s32 s21, s6  }
0x38: {  	[tilespmem:s13], [sflag:$0x5] =	stream.linear.gather [hbm4b:s23+s2], $0x280, $0x38;
	[tilespmem:$0x14A00] =	vst v63  }
0x39: {  	_ =	swait.ge [sflag:s10], $0x280  }
0x3a: {  	[sflag:s10] =	ssyncset.done $0x0  }
0x3b: {  	s23 =	sadd.s32 s21, s9;
	[sflag:s10] =	ssyncadd.s32 $0xFFFFFD80  }
0x3c: {  	[tilespmem:s11], [sflag:$0x5] =	stream.linear.gather [hbm4b:s23+s2], $0x280, $0x38;
	[tilespmem:$0x14A00] =	vst v63  }
0x3d: {  	_ =	swait.ge [sflag:s10], $0x280  }
0x3e: {  	[sflag:s10] =	ssyncset.done $0x0  }
0x3f: {  	[sflag:s10] =	ssyncadd.s32 $0xFFFFFD80  }
0x40: {  	[tilespmem:s14], [sflag:$0x2] =	stream.indirect.gather [hbm4b:s3+s11], $0x40, s11, s11, $0xb8;
	[tilespmem:$0x14A00] =	vst v63  }
0x41: {  	s23 =	sadd.s32 s21, s8;
	s21 =	smov.u32 s25  }
0x42: {  	[tilespmem:s15], [sflag:$0x5] =	stream.linear.gather [hbm4b:s23+s2], $0x280, $0x38;
	[tilespmem:$0x14A00] =	vst v63  }
0x43: {  	_ =	swait.ge [sflag:s10], $0x280  }
0x44: {  	[sflag:s10] =	ssyncset.done $0x0  }
0x45: {  	[sflag:s10] =	ssyncadd.s32 $0xFFFFFD80  }
0x46: {  	_ =	swait.ge [sflag:s16], $0xA000  }
0x47: {  	[sflag:s16] =	ssyncset.done $0x0  }
0x48: {  	[sflag:s16] =	ssyncadd.s32 $0xFFFF6000  }
0x49: {  	[hbm4b:s4+s11] =	stream.indirect.scatter [tilespmem:s12], [sflag:$0x3], $0x40, s13, s11, $0xb8;
	[tilespmem:$0x14A00] =	vst v63  }
0x4a: {  	_ =	swait.ge [sflag:s17], $0xA000  }
0x4b: {  	[sflag:s17] =	ssyncset.done $0x0  }
0x4c: {  	[sflag:s17] =	ssyncadd.s32 $0xFFFF6000  }
0x4d: {  	[hbm4b:s4+s11] =	stream.indirect.scatter [tilespmem:s14], [sflag:$0x4], $0x40, s15, s11, $0xb8;
	[tilespmem:$0x14A00] =	vst v63  }
.Ltmp0:
0x4e: {  	_ =	swait.ge [sflag:s18], $0xA000;
	(pc) =	sbr.rel @p0 .LBB2_2-.Ltmp0, $4  }
0x4f: {  	[sflag:s18] =	ssyncset.done $0x0  }
0x50: {  	[sflag:s18] =	ssyncadd.s32 $0xFFFF6000  }
0x51: {  	_ =	swait.ge [sflag:s19], $0xA000  }
0x52: {  	s23 =	smov.u32 s22;
	[sflag:s19] =	ssyncset.done $0x0  }
0x53: {  	s22 =	sadd.s32 s21, s7;
	[sflag:s19] =	ssyncadd.s32 $0xFFFF6000  }
0x54: {  	[tilespmem:s2], [sflag:$0x5] =	stream.linear.gather [hbm4b:s22+s2], $0x280, $0x38;
	[tilespmem:$0x14A00] =	vst v63  }
0x55: {  	_ =	swait.ge [sflag:s10], $0x280  }
0x56: {  	[sflag:s10] =	ssyncset.done $0x0  }
0x57: {  	[sflag:s10] =	ssyncadd.s32 $0xFFFFFD80  }
0x58: {  	[tilespmem:s12], [sflag:$0x1] =	stream.indirect.gather [hbm4b:s3+s11], $0x40, s2, s11, $0xb8;
	[tilespmem:$0x14A00] =	vst v63  }
0x59: {  	s29 =	sadd.s32 s21, s6  }
0x5a: {  	[tilespmem:s13], [sflag:$0x5] =	stream.linear.gather [hbm4b:s29+s2], $0x280, $0x38;
	[tilespmem:$0x14A00] =	vst v63  }
0x5b: {  	_ =	swait.ge [sflag:s10], $0x280  }
0x5c: {  	[sflag:s10] =	ssyncset.done $0x0  }
0x5d: {  	s30 =	sadd.s32 s21, s9;
	[sflag:s10] =	ssyncadd.s32 $0xFFFFFD80  }
0x5e: {  	[tilespmem:s11], [sflag:$0x5] =	stream.linear.gather [hbm4b:s30+s2], $0x280, $0x38;
	[tilespmem:$0x14A00] =	vst v63  }
0x5f: {  	_ =	swait.ge [sflag:s10], $0x280  }
0x60: {  	[sflag:s10] =	ssyncset.done $0x0  }
0x61: {  	[sflag:s10] =	ssyncadd.s32 $0xFFFFFD80  }
0x62: {  	[tilespmem:s14], [sflag:$0x2] =	stream.indirect.gather [hbm4b:s3+s11], $0x40, s11, s11, $0xb8;
	[tilespmem:$0x14A00] =	vst v63  }
0x63: {  	s31 =	sadd.s32 s21, s8  }
0x64: {  	[tilespmem:s15], [sflag:$0x5] =	stream.linear.gather [hbm4b:s31+s2], $0x280, $0x38;
	[tilespmem:$0x14A00] =	vst v63  }
0x65: {  	_ =	swait.ge [sflag:s10], $0x280  }
0x66: {  	[sflag:s10] =	ssyncset.done $0x0  }
0x67: {  	[sflag:s10] =	ssyncadd.s32 $0xFFFFFD80  }
0x68: {  	_ =	swait.ge [sflag:s16], $0xA000  }
0x69: {  	[sflag:s16] =	ssyncset.done $0x0  }
0x6a: {  	[sflag:s16] =	ssyncadd.s32 $0xFFFF6000  }
0x6b: {  	[hbm4b:s4+s11] =	stream.indirect.scatter [tilespmem:s12], [sflag:$0x3], $0x40, s13, s11, $0xb8;
	[tilespmem:$0x14A00] =	vst v63  }
0x6c: {  	_ =	swait.ge [sflag:s17], $0xA000  }
0x6d: {  	[sflag:s17] =	ssyncset.done $0x0  }
0x6e: {  	s20 =	sadd.s32 $0x1, s20;
	[sflag:s17] =	ssyncadd.s32 $0xFFFF6000  }
0x6f: {  	[hbm4b:s4+s11] =	stream.indirect.scatter [tilespmem:s14], [sflag:$0x4], $0x40, s15, s11, $0xb8;
	[tilespmem:$0x14A00] =	vst v63  }
0x70: {  	p0 =	sne.s32 s20, s5;
	_ =	swait.ge [sflag:s18], $0xA000  }
.Ltmp1:
0x71: {  	[sflag:s18] =	ssyncset.done $0x0;
	(pc) =	sbr.rel @p0 .LBB2_1-.Ltmp1, $4  }
0x72: {  	[sflag:s18] =	ssyncadd.s32 $0xFFFF6000  }
0x73: {  	_ =	swait.ge [sflag:s19], $0xA000  }
0x74: {  	[sflag:s19] =	ssyncset.done $0x0  }
0x75: {  	[sflag:s19] =	ssyncadd.s32 $0xFFFF6000  }
0x76: {  	_ =	sfence.sel $0x180000  }
0x77: {  	[bflag:$0x0] =	sbarrier.arrive $0xFFFF  }
0x78: {  	p0 =	sne.s32 s1, $0x0;
	_ =	strace $0x9000004A  }
0x79: {  	s0 =	sadd.s32 @!p0 $0x100000, s0;
	[bflag:$0x2] =	sbarrier.arrive $0xFFFF  }
0x7a: {  	[sflag:s0] =	ssyncadd.tile.s32 @!p0 $0x1;
	_ =	shalt  }
.Lfunc_end2:
_tile_overlayer_lowered:
.L_overlay_start_2:
0x7b: {  	(tag) =	ssettag $0x2  }
0x7c: {  	s0 =	rddreg [dreg:$0x0];
	s2 =	stileid.u32  }
0x7d: {  	s1 =	rddreg [dreg:$0x1];
	p0 =	sne.s32 s2, $0x0  }
0x7e: {  	s3 =	rddreg [dreg:$0x2];
	[bflag:$0x3] =	sbarrier.arrive $0xFFFF;
	s2 =	simm.s32 @!p0 $0x1C05  }
0x7f: {  	[timem:s3], [sflag:s2] =	dma.local @!p0 [hbm:s0], s1  }
0x80: {  	s0 =	simm.s32 @!p0 $0x5  }
0x81: {  	_ =	swait.ge @!p0 [sflag:s0], s1  }
0x82: {  	s1 =	ssub.s32 @!p0 $0x0, s1;
	[sflag:s0] =	ssyncset.done @!p0 $0x0  }
0x83: {  	[sflag:s0] =	ssyncadd.s32 @!p0 s1  }
0x84: {  	[bflag:$0x3] =	sbarrier.arrive $0xFFFF  }
0x85: {  	_ =	shalt  }

</sc_bundles>
